<compile_context>
chip_gen: v7x
topology: tpu7x:2x2x1
jax: 0.10.2.dev20260603
libtpu: 0.0.44.dev20260713+nightly
codegen_flags: <defaults>
</compile_context>

<pallas_src>
import jax
import jax.numpy as jnp
from jax import lax
from jax.experimental import pallas as pl
from jax.experimental.pallas import tpu as pltpu
from jax.experimental.pallas import tpu_sc as plsc

_N = 4096
_NW = 32
_QPW = _N // _NW
_L = 16
_NCHUNK = _N // _L
_UNROLL = 8


def _sqrt16(x):
    i = plsc.bitcast(x, jnp.int32)
    y = plsc.bitcast(jnp.int32(0x5F3759DF) - (i >> 1), jnp.float32)
    for _ in range(4):
        y = y * (1.5 - 0.5 * x * y * y)
    return x * y


def _insert3(m1, m2, m3, t):
    m1, t = jnp.minimum(m1, t), jnp.maximum(m1, t)
    m2, t = jnp.minimum(m2, t), jnp.maximum(m2, t)
    m3 = jnp.minimum(m3, t)
    return m1, m2, m3


def _body(xs_h, ys_h, zs_h, sx_h, sy_h, sz_h, ox_h, oy_h, oz_h,
          xs_v, ys_v, zs_v, g1_v, g2_v, g3_v,
          sx_v, sy_v, sz_v, ox_v, oy_v, oz_v):
    wid = lax.axis_index("s") * 2 + lax.axis_index("c")
    base = wid * _QPW

    pltpu.sync_copy(xs_h, xs_v)
    pltpu.sync_copy(ys_h, ys_v)
    pltpu.sync_copy(zs_h, zs_v)
    pltpu.sync_copy(sx_h.at[pl.ds(base, _QPW)], sx_v)
    pltpu.sync_copy(sy_h.at[pl.ds(base, _QPW)], sy_v)
    pltpu.sync_copy(sz_h.at[pl.ds(base, _QPW)], sz_v)

    iota = lax.iota(jnp.int32, _L)
    lane0 = iota == 0
    inf_v = jnp.full((_L,), jnp.inf, jnp.float32)

    def per_pair(qp, _):
        qa = 2 * qp
        qb = qa + 1
        ia = jnp.full((_L,), base + qa, jnp.int32)
        ib = jnp.full((_L,), base + qb, jnp.int32)
        qxa = plsc.load_gather(xs_v, [ia])
        qya = plsc.load_gather(ys_v, [ia])
        qza = plsc.load_gather(zs_v, [ia])
        qxb = plsc.load_gather(xs_v, [ib])
        qyb = plsc.load_gather(ys_v, [ib])
        qzb = plsc.load_gather(zs_v, [ib])

        plsc.store_scatter(xs_v, [ia], inf_v, mask=lane0)
        plsc.store_scatter(xs_v, [ib], inf_v, mask=lane0)

        def chunk_body(c, carry):
            a1, a2, a3, b1, b2, b3 = carry
            coff = c * (_UNROLL * _L)
            for u in range(_UNROLL):
                off = coff + u * _L
                x = xs_v[pl.ds(off, _L)]
                y = ys_v[pl.ds(off, _L)]
                z = zs_v[pl.ds(off, _L)]
                dxa = qxa - x
                dya = qya - y
                dza = qza - z
                dxb = qxb - x
                dyb = qyb - y
                dzb = qzb - z
                ta = dxa * dxa + dya * dya + dza * dza
                tb = dxb * dxb + dyb * dyb + dzb * dzb
                a1, a2, a3 = _insert3(a1, a2, a3, ta)
                b1, b2, b3 = _insert3(b1, b2, b3, tb)
            return a1, a2, a3, b1, b2, b3

        a1, a2, a3, b1, b2, b3 = lax.fori_loop(
            0, _NCHUNK // _UNROLL, chunk_body,
            (inf_v, inf_v, inf_v, inf_v, inf_v, inf_v))

        plsc.store_scatter(xs_v, [ia], qxa, mask=lane0)
        plsc.store_scatter(xs_v, [ib], qxb, mask=lane0)

        dx = qxa - qxb
        dy = qya - qyb
        dz = qza - qzb
        dab = dx * dx + dy * dy + dz * dz
        for (m1, m2, m3, nm) in ((a1, a2, a3, "a"), (b1, b2, b3, "b")):
            i1, i2, i3 = _insert3(m1, m2, m3, dab)
            m1 = jnp.where(lane0, i1, m1)
            m2 = jnp.where(lane0, i2, m2)
            m3 = jnp.where(lane0, i3, m3)
            if nm == "a":
                a1, a2, a3 = m1, m2, m3
            else:
                b1, b2, b3 = m1, m2, m3

        for (m1, m2, m3, qfull) in ((a1, a2, a3, jnp.full((_L,), qa, jnp.int32)),
                                    (b1, b2, b3, jnp.full((_L,), qb, jnp.int32))):
            g = []
            for r in range(3):
                gr = jnp.min(m1)
                g.append(gr)
                if r < 2:
                    ff = plsc.all_reduce_ffs(m1 == gr)
                    sel = iota == ff
                    m1 = jnp.where(sel, m2, m1)
                    m2 = jnp.where(sel, m3, m2)
                    m3 = jnp.where(sel, inf_v, m3)
            plsc.store_scatter(g1_v, [qfull], jnp.full((_L,), g[0]), mask=lane0)
            plsc.store_scatter(g2_v, [qfull], jnp.full((_L,), g[1]), mask=lane0)
            plsc.store_scatter(g3_v, [qfull], jnp.full((_L,), g[2]), mask=lane0)
        return 0

    lax.fori_loop(0, _QPW // 2, per_pair, 0)

    for c in range(_QPW // _L):
        off = c * _L
        s = (_sqrt16(g1_v[pl.ds(off, _L)])
             + _sqrt16(g2_v[pl.ds(off, _L)])
             + _sqrt16(g3_v[pl.ds(off, _L)])) / 3.0
        s = jnp.maximum(s, 1e-5)
        ox_v[pl.ds(off, _L)] = s * sx_v[pl.ds(off, _L)]
        oy_v[pl.ds(off, _L)] = s * sy_v[pl.ds(off, _L)]
        oz_v[pl.ds(off, _L)] = s * sz_v[pl.ds(off, _L)]

    pltpu.sync_copy(ox_v, ox_h.at[pl.ds(base, _QPW)])
    pltpu.sync_copy(oy_v, oy_h.at[pl.ds(base, _QPW)])
    pltpu.sync_copy(oz_v, oz_h.at[pl.ds(base, _QPW)])


@jax.jit
def kernel(points, colors, scales):
    del colors
    xs = points[:, 0]
    ys = points[:, 1]
    zs = points[:, 2]
    sx = scales[:, 0]
    sy = scales[:, 1]
    sz = scales[:, 2]

    f32 = jnp.float32
    vec = jax.ShapeDtypeStruct((_N,), f32)
    run = pl.kernel(
        _body,
        out_type=(vec, vec, vec),
        mesh=plsc.VectorSubcoreMesh(core_axis_name="c", subcore_axis_name="s"),
        compiler_params=pltpu.CompilerParams(needs_layout_passes=False),
        scratch_types=(
            pltpu.VMEM((_N,), f32),
            pltpu.VMEM((_N,), f32),
            pltpu.VMEM((_N,), f32),
            pltpu.VMEM((_QPW,), f32),
            pltpu.VMEM((_QPW,), f32),
            pltpu.VMEM((_QPW,), f32),
            pltpu.VMEM((_QPW,), f32),
            pltpu.VMEM((_QPW,), f32),
            pltpu.VMEM((_QPW,), f32),
            pltpu.VMEM((_QPW,), f32),
            pltpu.VMEM((_QPW,), f32),
            pltpu.VMEM((_QPW,), f32),
        ),
    )
    ox, oy, oz = run(xs, ys, zs, sx, sy, sz)
    return jnp.stack([ox, oy, oz], axis=1)

# --- scband reference (transcript-rebuilt; emitter-appended) ---
"""Pipeline reference for scband-gaussians-60945585930483 (READ-ONLY COPY).

The authoritative reference and input builder live on the scoring server;
editing this copy changes nothing except your own understanding.
"""

import jax, jax.numpy as jnp
import numpy as np

N = 4096

def setup_inputs(seed: int = 0) -> dict:
    key = jax.random.key(seed)
    k1, k2, k3 = jax.random.split(key, 3)
    points = jax.random.normal(k1, (N, 3), dtype=jnp.float32)
    colors = jax.random.uniform(k2, (N, 3), dtype=jnp.float32)
    scales = jax.random.uniform(k3, (N, 3), dtype=jnp.float32)
    return {"points": points, "colors": colors, "scales": scales}

def reference(points, colors, scales):
    # Gaussians.initialize_scale: brute-force kNN (k=3) over all points,
    # mean distance to 3 nearest neighbors becomes the per-point scale.
    # point_diffs = points.unsqueeze(0) - points.unsqueeze(1)
    diffs = points[None, :, :] - points[:, None, :]
    # Use squared distances for sorting (monotone in true distance), sqrt after
    # selection. Forward result is identical to norm->sort and is grad-safe.
    dist_sq = jnp.sum(diffs * diffs, axis=2)
    n = dist_sq.shape[0]
    idx = jnp.arange(n)
    dist_sq = dist_sq.at[idx, idx].set(jnp.inf)  # fill_diagonal_(inf)
    closest_sq = jnp.sort(dist_sq, axis=1)[:, :3]
    closest = jnp.sqrt(closest_sq)
    all_scale = jnp.mean(closest, axis=1)
    all_scale = jnp.clip(all_scale, 1e-05, None)
    new_scales = scales * all_scale[:, None]
    return new_scales

if __name__ == "__main__":
    import jax
    _d = setup_inputs()
    print(jax.jit(kernel)(*tuple(_d.values())))

</pallas_src>

<mosaic_0001>
#map = affine_map<(d0, d1) -> (0)>
module attributes {stable_mosaic.version = 14 : i64} {
  func.func @_body(%arg0: i32, %arg1: i32, %arg2: memref<4096xf32, #tpu.memory_space<hbm>>, %arg3: memref<4096xf32, #tpu.memory_space<hbm>>, %arg4: memref<4096xf32, #tpu.memory_space<hbm>>, %arg5: memref<4096xf32, #tpu.memory_space<hbm>>, %arg6: memref<4096xf32, #tpu.memory_space<hbm>>, %arg7: memref<4096xf32, #tpu.memory_space<hbm>>, %arg8: memref<4096xf32, #tpu.memory_space<hbm>>, %arg9: memref<4096xf32, #tpu.memory_space<hbm>>, %arg10: memref<4096xf32, #tpu.memory_space<hbm>>, %arg11: memref<4096xf32, #tpu.memory_space<vmem>>, %arg12: memref<4096xf32, #tpu.memory_space<vmem>>, %arg13: memref<4096xf32, #tpu.memory_space<vmem>>, %arg14: memref<128xf32, #tpu.memory_space<vmem>>, %arg15: memref<128xf32, #tpu.memory_space<vmem>>, %arg16: memref<128xf32, #tpu.memory_space<vmem>>, %arg17: memref<128xf32, #tpu.memory_space<vmem>>, %arg18: memref<128xf32, #tpu.memory_space<vmem>>, %arg19: memref<128xf32, #tpu.memory_space<vmem>>, %arg20: memref<128xf32, #tpu.memory_space<vmem>>, %arg21: memref<128xf32, #tpu.memory_space<vmem>>, %arg22: memref<128xf32, #tpu.memory_space<vmem>>) attributes {dimension_semantics = [#tpu.dimension_semantics<core_parallel>, #tpu.dimension_semantics<subcore_parallel>], iteration_bounds = array<i64: 2, 16>, scalar_prefetch = 0 : i64, scratch_operands = 12 : i64, tpu.core_type = #tpu.core_type<sc_vector_subcore>, window_params = [{transform_indices = #map}, {transform_indices = #map}, {transform_indices = #map}, {transform_indices = #map}, {transform_indices = #map}, {transform_indices = #map}, {transform_indices = #map}, {transform_indices = #map}, {transform_indices = #map}]} {
    %mul3A = arith.constant 2 : i32
    %mul3A_0 = arith.muli %arg1, %mul3A : i32
    %add3A = arith.addi %mul3A_0, %arg0 : i32
    %mul3A_1 = arith.constant 128 : i32
    %mul3A_2 = arith.muli %add3A, %mul3A_1 : i32
    "tpu.region"() ({
      %run_scoped3A = tpu.sem_alloc : memref<!tpu.dma_semaphore, #tpu.memory_space<semaphore_mem>>
      tpu.enqueue_dma source(%arg2 : memref<4096xf32, #tpu.memory_space<hbm>>) target(%arg11 : memref<4096xf32, #tpu.memory_space<vmem>>) target_semaphore(%run_scoped3A : memref<!tpu.dma_semaphore, #tpu.memory_space<semaphore_mem>>)
      tpu.wait_dma2 semaphore(%run_scoped3A : memref<!tpu.dma_semaphore, #tpu.memory_space<semaphore_mem>>) src(%arg2 : memref<4096xf32, #tpu.memory_space<hbm>>) dst(%arg11 : memref<4096xf32, #tpu.memory_space<vmem>>)
      tpu.yield
    }) : () -> ()
    "tpu.region"() ({
      %run_scoped3A = tpu.sem_alloc : memref<!tpu.dma_semaphore, #tpu.memory_space<semaphore_mem>>
      tpu.enqueue_dma source(%arg3 : memref<4096xf32, #tpu.memory_space<hbm>>) target(%arg12 : memref<4096xf32, #tpu.memory_space<vmem>>) target_semaphore(%run_scoped3A : memref<!tpu.dma_semaphore, #tpu.memory_space<semaphore_mem>>)
      tpu.wait_dma2 semaphore(%run_scoped3A : memref<!tpu.dma_semaphore, #tpu.memory_space<semaphore_mem>>) src(%arg3 : memref<4096xf32, #tpu.memory_space<hbm>>) dst(%arg12 : memref<4096xf32, #tpu.memory_space<vmem>>)
      tpu.yield
    }) : () -> ()
    "tpu.region"() ({
      %run_scoped3A = tpu.sem_alloc : memref<!tpu.dma_semaphore, #tpu.memory_space<semaphore_mem>>
      tpu.enqueue_dma source(%arg4 : memref<4096xf32, #tpu.memory_space<hbm>>) target(%arg13 : memref<4096xf32, #tpu.memory_space<vmem>>) target_semaphore(%run_scoped3A : memref<!tpu.dma_semaphore, #tpu.memory_space<semaphore_mem>>)
      tpu.wait_dma2 semaphore(%run_scoped3A : memref<!tpu.dma_semaphore, #tpu.memory_space<semaphore_mem>>) src(%arg4 : memref<4096xf32, #tpu.memory_space<hbm>>) dst(%arg13 : memref<4096xf32, #tpu.memory_space<vmem>>)
      tpu.yield
    }) : () -> ()
    "tpu.region"() ({
      %run_scoped3A = tpu.sem_alloc : memref<!tpu.dma_semaphore, #tpu.memory_space<semaphore_mem>>
      %dma_start3A = tpu.memref_slice %arg5[%mul3A_2] : memref<4096xf32, #tpu.memory_space<hbm>> -> memref<128xf32, #tpu.memory_space<hbm>>
      %dma_start3A_1317 = tpu.memref_slice %arg5[%mul3A_2] : memref<4096xf32, #tpu.memory_space<hbm>> -> memref<128xf32, #tpu.memory_space<hbm>>
      tpu.enqueue_dma source(%dma_start3A_1317 : memref<128xf32, #tpu.memory_space<hbm>>) target(%arg17 : memref<128xf32, #tpu.memory_space<vmem>>) target_semaphore(%run_scoped3A : memref<!tpu.dma_semaphore, #tpu.memory_space<semaphore_mem>>)
      %dma_wait3A = tpu.memref_slice %arg5[%mul3A_2] : memref<4096xf32, #tpu.memory_space<hbm>> -> memref<128xf32, #tpu.memory_space<hbm>>
      %dma_wait3A_1318 = tpu.memref_slice %arg5[%mul3A_2] : memref<4096xf32, #tpu.memory_space<hbm>> -> memref<128xf32, #tpu.memory_space<hbm>>
      tpu.wait_dma2 semaphore(%run_scoped3A : memref<!tpu.dma_semaphore, #tpu.memory_space<semaphore_mem>>) src(%dma_wait3A_1318 : memref<128xf32, #tpu.memory_space<hbm>>) dst(%arg17 : memref<128xf32, #tpu.memory_space<vmem>>)
      tpu.yield
    }) : () -> ()
    "tpu.region"() ({
      %run_scoped3A = tpu.sem_alloc : memref<!tpu.dma_semaphore, #tpu.memory_space<semaphore_mem>>
      %dma_start3A = tpu.memref_slice %arg6[%mul3A_2] : memref<4096xf32, #tpu.memory_space<hbm>> -> memref<128xf32, #tpu.memory_space<hbm>>
      %dma_start3A_1317 = tpu.memref_slice %arg6[%mul3A_2] : memref<4096xf32, #tpu.memory_space<hbm>> -> memref<128xf32, #tpu.memory_space<hbm>>
      tpu.enqueue_dma source(%dma_start3A_1317 : memref<128xf32, #tpu.memory_space<hbm>>) target(%arg18 : memref<128xf32, #tpu.memory_space<vmem>>) target_semaphore(%run_scoped3A : memref<!tpu.dma_semaphore, #tpu.memory_space<semaphore_mem>>)
      %dma_wait3A = tpu.memref_slice %arg6[%mul3A_2] : memref<4096xf32, #tpu.memory_space<hbm>> -> memref<128xf32, #tpu.memory_space<hbm>>
      %dma_wait3A_1318 = tpu.memref_slice %arg6[%mul3A_2] : memref<4096xf32, #tpu.memory_space<hbm>> -> memref<128xf32, #tpu.memory_space<hbm>>
      tpu.wait_dma2 semaphore(%run_scoped3A : memref<!tpu.dma_semaphore, #tpu.memory_space<semaphore_mem>>) src(%dma_wait3A_1318 : memref<128xf32, #tpu.memory_space<hbm>>) dst(%arg18 : memref<128xf32, #tpu.memory_space<vmem>>)
      tpu.yield
    }) : () -> ()
    "tpu.region"() ({
      %run_scoped3A = tpu.sem_alloc : memref<!tpu.dma_semaphore, #tpu.memory_space<semaphore_mem>>
      %dma_start3A = tpu.memref_slice %arg7[%mul3A_2] : memref<4096xf32, #tpu.memory_space<hbm>> -> memref<128xf32, #tpu.memory_space<hbm>>
      %dma_start3A_1317 = tpu.memref_slice %arg7[%mul3A_2] : memref<4096xf32, #tpu.memory_space<hbm>> -> memref<128xf32, #tpu.memory_space<hbm>>
      tpu.enqueue_dma source(%dma_start3A_1317 : memref<128xf32, #tpu.memory_space<hbm>>) target(%arg19 : memref<128xf32, #tpu.memory_space<vmem>>) target_semaphore(%run_scoped3A : memref<!tpu.dma_semaphore, #tpu.memory_space<semaphore_mem>>)
      %dma_wait3A = tpu.memref_slice %arg7[%mul3A_2] : memref<4096xf32, #tpu.memory_space<hbm>> -> memref<128xf32, #tpu.memory_space<hbm>>
      %dma_wait3A_1318 = tpu.memref_slice %arg7[%mul3A_2] : memref<4096xf32, #tpu.memory_space<hbm>> -> memref<128xf32, #tpu.memory_space<hbm>>
      tpu.wait_dma2 semaphore(%run_scoped3A : memref<!tpu.dma_semaphore, #tpu.memory_space<semaphore_mem>>) src(%dma_wait3A_1318 : memref<128xf32, #tpu.memory_space<hbm>>) dst(%arg19 : memref<128xf32, #tpu.memory_space<vmem>>)
      tpu.yield
    }) : () -> ()
    %iota3A = tpu.iota {dimensions = array<i32: 0>} : vector<16xi32>
    %eq3A = arith.constant 0 : i32
    %eq3A_3 = vector.broadcast %eq3A : i32 to vector<16xi32>
    %eq3A_4 = arith.cmpi eq, %iota3A, %eq3A_3 : vector<16xi32>
    %broadcast_in_dim3A = arith.constant 0x7F800000 : f32
    %broadcast_in_dim3A_5 = vector.broadcast %broadcast_in_dim3A : f32 to vector<16xf32>
    %scan3A = arith.constant 0 : i32
    %scan3A_6 = arith.constant 0 : i32
    %scan3A_7 = arith.constant 64 : i32
    %scan3A_8 = arith.addi %scan3A_6, %scan3A_7 : i32
    %scan3A_9 = arith.constant 1 : i32
    %scan3A_10 = scf.for %scan3A_1317 = %scan3A_6 to %scan3A_8 step %scan3A_9 iter_args(%scan3A_1318 = %scan3A) -> (i32)  : i32 {
      %mul3A_1319 = arith.constant 2 : i32
      %mul3A_1320 = arith.muli %mul3A_1319, %scan3A_1317 : i32
      %add3A_1321 = arith.constant 1 : i32
      %add3A_1322 = arith.addi %mul3A_1320, %add3A_1321 : i32
      %add3A_1323 = arith.addi %mul3A_2, %mul3A_1320 : i32
      %broadcast_in_dim3A_1324 = vector.broadcast %add3A_1323 : i32 to vector<16xi32>
      %add3A_1325 = arith.addi %mul3A_2, %add3A_1322 : i32
      %broadcast_in_dim3A_1326 = vector.broadcast %add3A_1325 : i32 to vector<16xi32>
      %gather3A = tpu.vector_load_idx %arg11[%broadcast_in_dim3A_1324] : memref<4096xf32, #tpu.memory_space<vmem>>[vector<16xi32>], vector<16xf32>,
      %gather3A_1327 = tpu.vector_load_idx %arg12[%broadcast_in_dim3A_1324] : memref<4096xf32, #tpu.memory_space<vmem>>[vector<16xi32>], vector<16xf32>,
      %gather3A_1328 = tpu.vector_load_idx %arg13[%broadcast_in_dim3A_1324] : memref<4096xf32, #tpu.memory_space<vmem>>[vector<16xi32>], vector<16xf32>,
      %gather3A_1329 = tpu.vector_load_idx %arg11[%broadcast_in_dim3A_1326] : memref<4096xf32, #tpu.memory_space<vmem>>[vector<16xi32>], vector<16xf32>,
      %gather3A_1330 = tpu.vector_load_idx %arg12[%broadcast_in_dim3A_1326] : memref<4096xf32, #tpu.memory_space<vmem>>[vector<16xi32>], vector<16xf32>,
      %gather3A_1331 = tpu.vector_load_idx %arg13[%broadcast_in_dim3A_1326] : memref<4096xf32, #tpu.memory_space<vmem>>[vector<16xi32>], vector<16xf32>,
      tpu.vector_store_idx %arg11[%broadcast_in_dim3A_1324], %broadcast_in_dim3A_5 masked %eq3A_4 : memref<4096xf32, #tpu.memory_space<vmem>>[vector<16xi32>], vector<16xf32>, vector<16xi1>
      tpu.vector_store_idx %arg11[%broadcast_in_dim3A_1326], %broadcast_in_dim3A_5 masked %eq3A_4 : memref<4096xf32, #tpu.memory_space<vmem>>[vector<16xi32>], vector<16xf32>, vector<16xi1>
      %scan3A_1332 = arith.constant 0 : i32
      %scan3A_1333 = arith.constant 32 : i32
      %scan3A_1334 = arith.addi %scan3A_1332, %scan3A_1333 : i32
      %scan3A_1335 = arith.constant 1 : i32
      %scan3A_1336:6 = scf.for %scan3A_1419 = %scan3A_1332 to %scan3A_1334 step %scan3A_1335 iter_args(%scan3A_1420 = %broadcast_in_dim3A_5, %scan3A_1421 = %broadcast_in_dim3A_5, %scan3A_1422 = %broadcast_in_dim3A_5, %scan3A_1423 = %broadcast_in_dim3A_5, %scan3A_1424 = %broadcast_in_dim3A_5, %scan3A_1425 = %broadcast_in_dim3A_5) -> (vector<16xf32>, vector<16xf32>, vector<16xf32>, vector<16xf32>, vector<16xf32>, vector<16xf32>)  : i32 {
        %mul3A_1426 = arith.constant 128 : i32
        %mul3A_1427 = arith.muli %scan3A_1419, %mul3A_1426 : i32
        %add3A_1428 = arith.constant 0 : i32
        %add3A_1429 = arith.addi %mul3A_1427, %add3A_1428 : i32
        %get3A_1430 = arith.index_cast %add3A_1429 : i32 to index
        %get3A_1431 = tpu.vector_load %arg11[%get3A_1430] {strides = array<i32>} : memref<4096xf32, #tpu.memory_space<vmem>>, vector<16xf32>,
        %get3A_1432 = arith.index_cast %add3A_1429 : i32 to index
        %get3A_1433 = tpu.vector_load %arg12[%get3A_1432] {strides = array<i32>} : memref<4096xf32, #tpu.memory_space<vmem>>, vector<16xf32>,
        %get3A_1434 = arith.index_cast %add3A_1429 : i32 to index
        %get3A_1435 = tpu.vector_load %arg13[%get3A_1434] {strides = array<i32>} : memref<4096xf32, #tpu.memory_space<vmem>>, vector<16xf32>,
        %sub3A_1436 = arith.subf %gather3A, %get3A_1431 : vector<16xf32>
        %sub3A_1437 = arith.subf %gather3A_1327, %get3A_1433 : vector<16xf32>
        %sub3A_1438 = arith.subf %gather3A_1328, %get3A_1435 : vector<16xf32>
        %sub3A_1439 = arith.subf %gather3A_1329, %get3A_1431 : vector<16xf32>
        %sub3A_1440 = arith.subf %gather3A_1330, %get3A_1433 : vector<16xf32>
        %sub3A_1441 = arith.subf %gather3A_1331, %get3A_1435 : vector<16xf32>
        %mul3A_1442 = arith.mulf %sub3A_1436, %sub3A_1436 : vector<16xf32>
        %mul3A_1443 = arith.mulf %sub3A_1437, %sub3A_1437 : vector<16xf32>
        %add3A_1444 = arith.addf %mul3A_1442, %mul3A_1443 : vector<16xf32>
        %mul3A_1445 = arith.mulf %sub3A_1438, %sub3A_1438 : vector<16xf32>
        %add3A_1446 = arith.addf %add3A_1444, %mul3A_1445 : vector<16xf32>
        %mul3A_1447 = arith.mulf %sub3A_1439, %sub3A_1439 : vector<16xf32>
        %mul3A_1448 = arith.mulf %sub3A_1440, %sub3A_1440 : vector<16xf32>
        %add3A_1449 = arith.addf %mul3A_1447, %mul3A_1448 : vector<16xf32>
        %mul3A_1450 = arith.mulf %sub3A_1441, %sub3A_1441 : vector<16xf32>
        %add3A_1451 = arith.addf %add3A_1449, %mul3A_1450 : vector<16xf32>
        %min3A_1452 = arith.minimumf %scan3A_1420, %add3A_1446 : vector<16xf32>
        %max3A_1453 = arith.maximumf %scan3A_1420, %add3A_1446 : vector<16xf32>
        %min3A_1454 = arith.minimumf %scan3A_1421, %max3A_1453 : vector<16xf32>
        %max3A_1455 = arith.maximumf %scan3A_1421, %max3A_1453 : vector<16xf32>
        %min3A_1456 = arith.minimumf %scan3A_1422, %max3A_1455 : vector<16xf32>
        %min3A_1457 = arith.minimumf %scan3A_1423, %add3A_1451 : vector<16xf32>
        %max3A_1458 = arith.maximumf %scan3A_1423, %add3A_1451 : vector<16xf32>
        %min3A_1459 = arith.minimumf %scan3A_1424, %max3A_1458 : vector<16xf32>
        %max3A_1460 = arith.maximumf %scan3A_1424, %max3A_1458 : vector<16xf32>
        %min3A_1461 = arith.minimumf %scan3A_1425, %max3A_1460 : vector<16xf32>
        %add3A_1462 = arith.constant 16 : i32
        %add3A_1463 = arith.addi %mul3A_1427, %add3A_1462 : i32
        %get3A_1464 = arith.index_cast %add3A_1463 : i32 to index
        %get3A_1465 = tpu.vector_load %arg11[%get3A_1464] {strides = array<i32>} : memref<4096xf32, #tpu.memory_space<vmem>>, vector<16xf32>,
        %get3A_1466 = arith.index_cast %add3A_1463 : i32 to index
        %get3A_1467 = tpu.vector_load %arg12[%get3A_1466] {strides = array<i32>} : memref<4096xf32, #tpu.memory_space<vmem>>, vector<16xf32>,
        %get3A_1468 = arith.index_cast %add3A_1463 : i32 to index
        %get3A_1469 = tpu.vector_load %arg13[%get3A_1468] {strides = array<i32>} : memref<4096xf32, #tpu.memory_space<vmem>>, vector<16xf32>,
        %sub3A_1470 = arith.subf %gather3A, %get3A_1465 : vector<16xf32>
        %sub3A_1471 = arith.subf %gather3A_1327, %get3A_1467 : vector<16xf32>
        %sub3A_1472 = arith.subf %gather3A_1328, %get3A_1469 : vector<16xf32>
        %sub3A_1473 = arith.subf %gather3A_1329, %get3A_1465 : vector<16xf32>
        %sub3A_1474 = arith.subf %gather3A_1330, %get3A_1467 : vector<16xf32>
        %sub3A_1475 = arith.subf %gather3A_1331, %get3A_1469 : vector<16xf32>
        %mul3A_1476 = arith.mulf %sub3A_1470, %sub3A_1470 : vector<16xf32>
        %mul3A_1477 = arith.mulf %sub3A_1471, %sub3A_1471 : vector<16xf32>
        %add3A_1478 = arith.addf %mul3A_1476, %mul3A_1477 : vector<16xf32>
        %mul3A_1479 = arith.mulf %sub3A_1472, %sub3A_1472 : vector<16xf32>
        %add3A_1480 = arith.addf %add3A_1478, %mul3A_1479 : vector<16xf32>
        %mul3A_1481 = arith.mulf %sub3A_1473, %sub3A_1473 : vector<16xf32>
        %mul3A_1482 = arith.mulf %sub3A_1474, %sub3A_1474 : vector<16xf32>
        %add3A_1483 = arith.addf %mul3A_1481, %mul3A_1482 : vector<16xf32>
        %mul3A_1484 = arith.mulf %sub3A_1475, %sub3A_1475 : vector<16xf32>
        %add3A_1485 = arith.addf %add3A_1483, %mul3A_1484 : vector<16xf32>
        %min3A_1486 = arith.minimumf %min3A_1452, %add3A_1480 : vector<16xf32>
        %max3A_1487 = arith.maximumf %min3A_1452, %add3A_1480 : vector<16xf32>
        %min3A_1488 = arith.minimumf %min3A_1454, %max3A_1487 : vector<16xf32>
        %max3A_1489 = arith.maximumf %min3A_1454, %max3A_1487 : vector<16xf32>
        %min3A_1490 = arith.minimumf %min3A_1456, %max3A_1489 : vector<16xf32>
        %min3A_1491 = arith.minimumf %min3A_1457, %add3A_1485 : vector<16xf32>
        %max3A_1492 = arith.maximumf %min3A_1457, %add3A_1485 : vector<16xf32>
        %min3A_1493 = arith.minimumf %min3A_1459, %max3A_1492 : vector<16xf32>
        %max3A_1494 = arith.maximumf %min3A_1459, %max3A_1492 : vector<16xf32>
        %min3A_1495 = arith.minimumf %min3A_1461, %max3A_1494 : vector<16xf32>
        %add3A_1496 = arith.constant 32 : i32
        %add3A_1497 = arith.addi %mul3A_1427, %add3A_1496 : i32
        %get3A_1498 = arith.index_cast %add3A_1497 : i32 to index
        %get3A_1499 = tpu.vector_load %arg11[%get3A_1498] {strides = array<i32>} : memref<4096xf32, #tpu.memory_space<vmem>>, vector<16xf32>,
        %get3A_1500 = arith.index_cast %add3A_1497 : i32 to index
        %get3A_1501 = tpu.vector_load %arg12[%get3A_1500] {strides = array<i32>} : memref<4096xf32, #tpu.memory_space<vmem>>, vector<16xf32>,
        %get3A_1502 = arith.index_cast %add3A_1497 : i32 to index
        %get3A_1503 = tpu.vector_load %arg13[%get3A_1502] {strides = array<i32>} : memref<4096xf32, #tpu.memory_space<vmem>>, vector<16xf32>,
        %sub3A_1504 = arith.subf %gather3A, %get3A_1499 : vector<16xf32>
        %sub3A_1505 = arith.subf %gather3A_1327, %get3A_1501 : vector<16xf32>
        %sub3A_1506 = arith.subf %gather3A_1328, %get3A_1503 : vector<16xf32>
        %sub3A_1507 = arith.subf %gather3A_1329, %get3A_1499 : vector<16xf32>
        %sub3A_1508 = arith.subf %gather3A_1330, %get3A_1501 : vector<16xf32>
        %sub3A_1509 = arith.subf %gather3A_1331, %get3A_1503 : vector<16xf32>
        %mul3A_1510 = arith.mulf %sub3A_1504, %sub3A_1504 : vector<16xf32>
        %mul3A_1511 = arith.mulf %sub3A_1505, %sub3A_1505 : vector<16xf32>
        %add3A_1512 = arith.addf %mul3A_1510, %mul3A_1511 : vector<16xf32>
        %mul3A_1513 = arith.mulf %sub3A_1506, %sub3A_1506 : vector<16xf32>
        %add3A_1514 = arith.addf %add3A_1512, %mul3A_1513 : vector<16xf32>
        %mul3A_1515 = arith.mulf %sub3A_1507, %sub3A_1507 : vector<16xf32>
        %mul3A_1516 = arith.mulf %sub3A_1508, %sub3A_1508 : vector<16xf32>
        %add3A_1517 = arith.addf %mul3A_1515, %mul3A_1516 : vector<16xf32>
        %mul3A_1518 = arith.mulf %sub3A_1509, %sub3A_1509 : vector<16xf32>
        %add3A_1519 = arith.addf %add3A_1517, %mul3A_1518 : vector<16xf32>
        %min3A_1520 = arith.minimumf %min3A_1486, %add3A_1514 : vector<16xf32>
        %max3A_1521 = arith.maximumf %min3A_1486, %add3A_1514 : vector<16xf32>
        %min3A_1522 = arith.minimumf %min3A_1488, %max3A_1521 : vector<16xf32>
        %max3A_1523 = arith.maximumf %min3A_1488, %max3A_1521 : vector<16xf32>
        %min3A_1524 = arith.minimumf %min3A_1490, %max3A_1523 : vector<16xf32>
        %min3A_1525 = arith.minimumf %min3A_1491, %add3A_1519 : vector<16xf32>
        %max3A_1526 = arith.maximumf %min3A_1491, %add3A_1519 : vector<16xf32>
        %min3A_1527 = arith.minimumf %min3A_1493, %max3A_1526 : vector<16xf32>
        %max3A_1528 = arith.maximumf %min3A_1493, %max3A_1526 : vector<16xf32>
        %min3A_1529 = arith.minimumf %min3A_1495, %max3A_1528 : vector<16xf32>
        %add3A_1530 = arith.constant 48 : i32
        %add3A_1531 = arith.addi %mul3A_1427, %add3A_1530 : i32
        %get3A_1532 = arith.index_cast %add3A_1531 : i32 to index
        %get3A_1533 = tpu.vector_load %arg11[%get3A_1532] {strides = array<i32>} : memref<4096xf32, #tpu.memory_space<vmem>>, vector<16xf32>,
        %get3A_1534 = arith.index_cast %add3A_1531 : i32 to index
        %get3A_1535 = tpu.vector_load %arg12[%get3A_1534] {strides = array<i32>} : memref<4096xf32, #tpu.memory_space<vmem>>, vector<16xf32>,
        %get3A_1536 = arith.index_cast %add3A_1531 : i32 to index
        %get3A_1537 = tpu.vector_load %arg13[%get3A_1536] {strides = array<i32>} : memref<4096xf32, #tpu.memory_space<vmem>>, vector<16xf32>,
        %sub3A_1538 = arith.subf %gather3A, %get3A_1533 : vector<16xf32>
        %sub3A_1539 = arith.subf %gather3A_1327, %get3A_1535 : vector<16xf32>
        %sub3A_1540 = arith.subf %gather3A_1328, %get3A_1537 : vector<16xf32>
        %sub3A_1541 = arith.subf %gather3A_1329, %get3A_1533 : vector<16xf32>
        %sub3A_1542 = arith.subf %gather3A_1330, %get3A_1535 : vector<16xf32>
        %sub3A_1543 = arith.subf %gather3A_1331, %get3A_1537 : vector<16xf32>
        %mul3A_1544 = arith.mulf %sub3A_1538, %sub3A_1538 : vector<16xf32>
        %mul3A_1545 = arith.mulf %sub3A_1539, %sub3A_1539 : vector<16xf32>
        %add3A_1546 = arith.addf %mul3A_1544, %mul3A_1545 : vector<16xf32>
        %mul3A_1547 = arith.mulf %sub3A_1540, %sub3A_1540 : vector<16xf32>
        %add3A_1548 = arith.addf %add3A_1546, %mul3A_1547 : vector<16xf32>
        %mul3A_1549 = arith.mulf %sub3A_1541, %sub3A_1541 : vector<16xf32>
        %mul3A_1550 = arith.mulf %sub3A_1542, %sub3A_1542 : vector<16xf32>
        %add3A_1551 = arith.addf %mul3A_1549, %mul3A_1550 : vector<16xf32>
        %mul3A_1552 = arith.mulf %sub3A_1543, %sub3A_1543 : vector<16xf32>
        %add3A_1553 = arith.addf %add3A_1551, %mul3A_1552 : vector<16xf32>
        %min3A_1554 = arith.minimumf %min3A_1520, %add3A_1548 : vector<16xf32>
        %max3A_1555 = arith.maximumf %min3A_1520, %add3A_1548 : vector<16xf32>
        %min3A_1556 = arith.minimumf %min3A_1522, %max3A_1555 : vector<16xf32>
        %max3A_1557 = arith.maximumf %min3A_1522, %max3A_1555 : vector<16xf32>
        %min3A_1558 = arith.minimumf %min3A_1524, %max3A_1557 : vector<16xf32>
        %min3A_1559 = arith.minimumf %min3A_1525, %add3A_1553 : vector<16xf32>
        %max3A_1560 = arith.maximumf %min3A_1525, %add3A_1553 : vector<16xf32>
        %min3A_1561 = arith.minimumf %min3A_1527, %max3A_1560 : vector<16xf32>
        %max3A_1562 = arith.maximumf %min3A_1527, %max3A_1560 : vector<16xf32>
        %min3A_1563 = arith.minimumf %min3A_1529, %max3A_1562 : vector<16xf32>
        %add3A_1564 = arith.constant 64 : i32
        %add3A_1565 = arith.addi %mul3A_1427, %add3A_1564 : i32
        %get3A_1566 = arith.index_cast %add3A_1565 : i32 to index
        %get3A_1567 = tpu.vector_load %arg11[%get3A_1566] {strides = array<i32>} : memref<4096xf32, #tpu.memory_space<vmem>>, vector<16xf32>,
        %get3A_1568 = arith.index_cast %add3A_1565 : i32 to index
        %get3A_1569 = tpu.vector_load %arg12[%get3A_1568] {strides = array<i32>} : memref<4096xf32, #tpu.memory_space<vmem>>, vector<16xf32>,
        %get3A_1570 = arith.index_cast %add3A_1565 : i32 to index
        %get3A_1571 = tpu.vector_load %arg13[%get3A_1570] {strides = array<i32>} : memref<4096xf32, #tpu.memory_space<vmem>>, vector<16xf32>,
        %sub3A_1572 = arith.subf %gather3A, %get3A_1567 : vector<16xf32>
        %sub3A_1573 = arith.subf %gather3A_1327, %get3A_1569 : vector<16xf32>
        %sub3A_1574 = arith.subf %gather3A_1328, %get3A_1571 : vector<16xf32>
        %sub3A_1575 = arith.subf %gather3A_1329, %get3A_1567 : vector<16xf32>
        %sub3A_1576 = arith.subf %gather3A_1330, %get3A_1569 : vector<16xf32>
        %sub3A_1577 = arith.subf %gather3A_1331, %get3A_1571 : vector<16xf32>
        %mul3A_1578 = arith.mulf %sub3A_1572, %sub3A_1572 : vector<16xf32>
        %mul3A_1579 = arith.mulf %sub3A_1573, %sub3A_1573 : vector<16xf32>
        %add3A_1580 = arith.addf %mul3A_1578, %mul3A_1579 : vector<16xf32>
        %mul3A_1581 = arith.mulf %sub3A_1574, %sub3A_1574 : vector<16xf32>
        %add3A_1582 = arith.addf %add3A_1580, %mul3A_1581 : vector<16xf32>
        %mul3A_1583 = arith.mulf %sub3A_1575, %sub3A_1575 : vector<16xf32>
        %mul3A_1584 = arith.mulf %sub3A_1576, %sub3A_1576 : vector<16xf32>
        %add3A_1585 = arith.addf %mul3A_1583, %mul3A_1584 : vector<16xf32>
        %mul3A_1586 = arith.mulf %sub3A_1577, %sub3A_1577 : vector<16xf32>
        %add3A_1587 = arith.addf %add3A_1585, %mul3A_1586 : vector<16xf32>
        %min3A_1588 = arith.minimumf %min3A_1554, %add3A_1582 : vector<16xf32>
        %max3A_1589 = arith.maximumf %min3A_1554, %add3A_1582 : vector<16xf32>
        %min3A_1590 = arith.minimumf %min3A_1556, %max3A_1589 : vector<16xf32>
        %max3A_1591 = arith.maximumf %min3A_1556, %max3A_1589 : vector<16xf32>
        %min3A_1592 = arith.minimumf %min3A_1558, %max3A_1591 : vector<16xf32>
        %min3A_1593 = arith.minimumf %min3A_1559, %add3A_1587 : vector<16xf32>
        %max3A_1594 = arith.maximumf %min3A_1559, %add3A_1587 : vector<16xf32>
        %min3A_1595 = arith.minimumf %min3A_1561, %max3A_1594 : vector<16xf32>
        %max3A_1596 = arith.maximumf %min3A_1561, %max3A_1594 : vector<16xf32>
        %min3A_1597 = arith.minimumf %min3A_1563, %max3A_1596 : vector<16xf32>
        %add3A_1598 = arith.constant 80 : i32
        %add3A_1599 = arith.addi %mul3A_1427, %add3A_1598 : i32
        %get3A_1600 = arith.index_cast %add3A_1599 : i32 to index
        %get3A_1601 = tpu.vector_load %arg11[%get3A_1600] {strides = array<i32>} : memref<4096xf32, #tpu.memory_space<vmem>>, vector<16xf32>,
        %get3A_1602 = arith.index_cast %add3A_1599 : i32 to index
        %get3A_1603 = tpu.vector_load %arg12[%get3A_1602] {strides = array<i32>} : memref<4096xf32, #tpu.memory_space<vmem>>, vector<16xf32>,
        %get3A_1604 = arith.index_cast %add3A_1599 : i32 to index
        %get3A_1605 = tpu.vector_load %arg13[%get3A_1604] {strides = array<i32>} : memref<4096xf32, #tpu.memory_space<vmem>>, vector<16xf32>,
        %sub3A_1606 = arith.subf %gather3A, %get3A_1601 : vector<16xf32>
        %sub3A_1607 = arith.subf %gather3A_1327, %get3A_1603 : vector<16xf32>
        %sub3A_1608 = arith.subf %gather3A_1328, %get3A_1605 : vector<16xf32>
        %sub3A_1609 = arith.subf %gather3A_1329, %get3A_1601 : vector<16xf32>
        %sub3A_1610 = arith.subf %gather3A_1330, %get3A_1603 : vector<16xf32>
        %sub3A_1611 = arith.subf %gather3A_1331, %get3A_1605 : vector<16xf32>
        %mul3A_1612 = arith.mulf %sub3A_1606, %sub3A_1606 : vector<16xf32>
        %mul3A_1613 = arith.mulf %sub3A_1607, %sub3A_1607 : vector<16xf32>
        %add3A_1614 = arith.addf %mul3A_1612, %mul3A_1613 : vector<16xf32>
        %mul3A_1615 = arith.mulf %sub3A_1608, %sub3A_1608 : vector<16xf32>
        %add3A_1616 = arith.addf %add3A_1614, %mul3A_1615 : vector<16xf32>
        %mul3A_1617 = arith.mulf %sub3A_1609, %sub3A_1609 : vector<16xf32>
        %mul3A_1618 = arith.mulf %sub3A_1610, %sub3A_1610 : vector<16xf32>
        %add3A_1619 = arith.addf %mul3A_1617, %mul3A_1618 : vector<16xf32>
        %mul3A_1620 = arith.mulf %sub3A_1611, %sub3A_1611 : vector<16xf32>
        %add3A_1621 = arith.addf %add3A_1619, %mul3A_1620 : vector<16xf32>
        %min3A_1622 = arith.minimumf %min3A_1588, %add3A_1616 : vector<16xf32>
        %max3A_1623 = arith.maximumf %min3A_1588, %add3A_1616 : vector<16xf32>
        %min3A_1624 = arith.minimumf %min3A_1590, %max3A_1623 : vector<16xf32>
        %max3A_1625 = arith.maximumf %min3A_1590, %max3A_1623 : vector<16xf32>
        %min3A_1626 = arith.minimumf %min3A_1592, %max3A_1625 : vector<16xf32>
        %min3A_1627 = arith.minimumf %min3A_1593, %add3A_1621 : vector<16xf32>
        %max3A_1628 = arith.maximumf %min3A_1593, %add3A_1621 : vector<16xf32>
        %min3A_1629 = arith.minimumf %min3A_1595, %max3A_1628 : vector<16xf32>
        %max3A_1630 = arith.maximumf %min3A_1595, %max3A_1628 : vector<16xf32>
        %min3A_1631 = arith.minimumf %min3A_1597, %max3A_1630 : vector<16xf32>
        %add3A_1632 = arith.constant 96 : i32
        %add3A_1633 = arith.addi %mul3A_1427, %add3A_1632 : i32
        %get3A_1634 = arith.index_cast %add3A_1633 : i32 to index
        %get3A_1635 = tpu.vector_load %arg11[%get3A_1634] {strides = array<i32>} : memref<4096xf32, #tpu.memory_space<vmem>>, vector<16xf32>,
        %get3A_1636 = arith.index_cast %add3A_1633 : i32 to index
        %get3A_1637 = tpu.vector_load %arg12[%get3A_1636] {strides = array<i32>} : memref<4096xf32, #tpu.memory_space<vmem>>, vector<16xf32>,
        %get3A_1638 = arith.index_cast %add3A_1633 : i32 to index
        %get3A_1639 = tpu.vector_load %arg13[%get3A_1638] {strides = array<i32>} : memref<4096xf32, #tpu.memory_space<vmem>>, vector<16xf32>,
        %sub3A_1640 = arith.subf %gather3A, %get3A_1635 : vector<16xf32>
        %sub3A_1641 = arith.subf %gather3A_1327, %get3A_1637 : vector<16xf32>
        %sub3A_1642 = arith.subf %gather3A_1328, %get3A_1639 : vector<16xf32>
        %sub3A_1643 = arith.subf %gather3A_1329, %get3A_1635 : vector<16xf32>
        %sub3A_1644 = arith.subf %gather3A_1330, %get3A_1637 : vector<16xf32>
        %sub3A_1645 = arith.subf %gather3A_1331, %get3A_1639 : vector<16xf32>
        %mul3A_1646 = arith.mulf %sub3A_1640, %sub3A_1640 : vector<16xf32>
        %mul3A_1647 = arith.mulf %sub3A_1641, %sub3A_1641 : vector<16xf32>
        %add3A_1648 = arith.addf %mul3A_1646, %mul3A_1647 : vector<16xf32>
        %mul3A_1649 = arith.mulf %sub3A_1642, %sub3A_1642 : vector<16xf32>
        %add3A_1650 = arith.addf %add3A_1648, %mul3A_1649 : vector<16xf32>
        %mul3A_1651 = arith.mulf %sub3A_1643, %sub3A_1643 : vector<16xf32>
        %mul3A_1652 = arith.mulf %sub3A_1644, %sub3A_1644 : vector<16xf32>
        %add3A_1653 = arith.addf %mul3A_1651, %mul3A_1652 : vector<16xf32>
        %mul3A_1654 = arith.mulf %sub3A_1645, %sub3A_1645 : vector<16xf32>
        %add3A_1655 = arith.addf %add3A_1653, %mul3A_1654 : vector<16xf32>
        %min3A_1656 = arith.minimumf %min3A_1622, %add3A_1650 : vector<16xf32>
        %max3A_1657 = arith.maximumf %min3A_1622, %add3A_1650 : vector<16xf32>
        %min3A_1658 = arith.minimumf %min3A_1624, %max3A_1657 : vector<16xf32>
        %max3A_1659 = arith.maximumf %min3A_1624, %max3A_1657 : vector<16xf32>
        %min3A_1660 = arith.minimumf %min3A_1626, %max3A_1659 : vector<16xf32>
        %min3A_1661 = arith.minimumf %min3A_1627, %add3A_1655 : vector<16xf32>
        %max3A_1662 = arith.maximumf %min3A_1627, %add3A_1655 : vector<16xf32>
        %min3A_1663 = arith.minimumf %min3A_1629, %max3A_1662 : vector<16xf32>
        %max3A_1664 = arith.maximumf %min3A_1629, %max3A_1662 : vector<16xf32>
        %min3A_1665 = arith.minimumf %min3A_1631, %max3A_1664 : vector<16xf32>
        %add3A_1666 = arith.constant 112 : i32
        %add3A_1667 = arith.addi %mul3A_1427, %add3A_1666 : i32
        %get3A_1668 = arith.index_cast %add3A_1667 : i32 to index
        %get3A_1669 = tpu.vector_load %arg11[%get3A_1668] {strides = array<i32>} : memref<4096xf32, #tpu.memory_space<vmem>>, vector<16xf32>,
        %get3A_1670 = arith.index_cast %add3A_1667 : i32 to index
        %get3A_1671 = tpu.vector_load %arg12[%get3A_1670] {strides = array<i32>} : memref<4096xf32, #tpu.memory_space<vmem>>, vector<16xf32>,
        %get3A_1672 = arith.index_cast %add3A_1667 : i32 to index
        %get3A_1673 = tpu.vector_load %arg13[%get3A_1672] {strides = array<i32>} : memref<4096xf32, #tpu.memory_space<vmem>>, vector<16xf32>,
        %sub3A_1674 = arith.subf %gather3A, %get3A_1669 : vector<16xf32>
        %sub3A_1675 = arith.subf %gather3A_1327, %get3A_1671 : vector<16xf32>
        %sub3A_1676 = arith.subf %gather3A_1328, %get3A_1673 : vector<16xf32>
        %sub3A_1677 = arith.subf %gather3A_1329, %get3A_1669 : vector<16xf32>
        %sub3A_1678 = arith.subf %gather3A_1330, %get3A_1671 : vector<16xf32>
        %sub3A_1679 = arith.subf %gather3A_1331, %get3A_1673 : vector<16xf32>
        %mul3A_1680 = arith.mulf %sub3A_1674, %sub3A_1674 : vector<16xf32>
        %mul3A_1681 = arith.mulf %sub3A_1675, %sub3A_1675 : vector<16xf32>
        %add3A_1682 = arith.addf %mul3A_1680, %mul3A_1681 : vector<16xf32>
        %mul3A_1683 = arith.mulf %sub3A_1676, %sub3A_1676 : vector<16xf32>
        %add3A_1684 = arith.addf %add3A_1682, %mul3A_1683 : vector<16xf32>
        %mul3A_1685 = arith.mulf %sub3A_1677, %sub3A_1677 : vector<16xf32>
        %mul3A_1686 = arith.mulf %sub3A_1678, %sub3A_1678 : vector<16xf32>
        %add3A_1687 = arith.addf %mul3A_1685, %mul3A_1686 : vector<16xf32>
        %mul3A_1688 = arith.mulf %sub3A_1679, %sub3A_1679 : vector<16xf32>
        %add3A_1689 = arith.addf %add3A_1687, %mul3A_1688 : vector<16xf32>
        %min3A_1690 = arith.minimumf %min3A_1656, %add3A_1684 : vector<16xf32>
        %max3A_1691 = arith.maximumf %min3A_1656, %add3A_1684 : vector<16xf32>
        %min3A_1692 = arith.minimumf %min3A_1658, %max3A_1691 : vector<16xf32>
        %max3A_1693 = arith.maximumf %min3A_1658, %max3A_1691 : vector<16xf32>
        %min3A_1694 = arith.minimumf %min3A_1660, %max3A_1693 : vector<16xf32>
        %min3A_1695 = arith.minimumf %min3A_1661, %add3A_1689 : vector<16xf32>
        %max3A_1696 = arith.maximumf %min3A_1661, %add3A_1689 : vector<16xf32>
        %min3A_1697 = arith.minimumf %min3A_1663, %max3A_1696 : vector<16xf32>
        %max3A_1698 = arith.maximumf %min3A_1663, %max3A_1696 : vector<16xf32>
        %min3A_1699 = arith.minimumf %min3A_1665, %max3A_1698 : vector<16xf32>
        scf.yield %min3A_1690, %min3A_1692, %min3A_1694, %min3A_1695, %min3A_1697, %min3A_1699 : vector<16xf32>, vector<16xf32>, vector<16xf32>, vector<16xf32>, vector<16xf32>, vector<16xf32>
      }
      %scan3A_1337 = arith.constant 32 : i32
      tpu.vector_store_idx %arg11[%broadcast_in_dim3A_1324], %gather3A masked %eq3A_4 : memref<4096xf32, #tpu.memory_space<vmem>>[vector<16xi32>], vector<16xf32>, vector<16xi1>
      tpu.vector_store_idx %arg11[%broadcast_in_dim3A_1326], %gather3A_1329 masked %eq3A_4 : memref<4096xf32, #tpu.memory_space<vmem>>[vector<16xi32>], vector<16xf32>, vector<16xi1>
      %sub3A_1338 = arith.subf %gather3A, %gather3A_1329 : vector<16xf32>
      %sub3A_1339 = arith.subf %gather3A_1327, %gather3A_1330 : vector<16xf32>
      %sub3A_1340 = arith.subf %gather3A_1328, %gather3A_1331 : vector<16xf32>
      %mul3A_1341 = arith.mulf %sub3A_1338, %sub3A_1338 : vector<16xf32>
      %mul3A_1342 = arith.mulf %sub3A_1339, %sub3A_1339 : vector<16xf32>
      %add3A_1343 = arith.addf %mul3A_1341, %mul3A_1342 : vector<16xf32>
      %mul3A_1344 = arith.mulf %sub3A_1340, %sub3A_1340 : vector<16xf32>
      %add3A_1345 = arith.addf %add3A_1343, %mul3A_1344 : vector<16xf32>
      %min3A = arith.minimumf %scan3A_1336#0, %add3A_1345 : vector<16xf32>
      %max3A_1346 = arith.maximumf %scan3A_1336#0, %add3A_1345 : vector<16xf32>
      %min3A_1347 = arith.minimumf %scan3A_1336#1, %max3A_1346 : vector<16xf32>
      %max3A_1348 = arith.maximumf %scan3A_1336#1, %max3A_1346 : vector<16xf32>
      %min3A_1349 = arith.minimumf %scan3A_1336#2, %max3A_1348 : vector<16xf32>
      %select_n3A = arith.select %eq3A_4, %min3A, %scan3A_1336#0 : vector<16xi1>, vector<16xf32>
      %select_n3A_1350 = arith.select %eq3A_4, %min3A_1347, %scan3A_1336#1 : vector<16xi1>, vector<16xf32>
      %select_n3A_1351 = arith.select %eq3A_4, %min3A_1349, %scan3A_1336#2 : vector<16xi1>, vector<16xf32>
      %min3A_1352 = arith.minimumf %scan3A_1336#3, %add3A_1345 : vector<16xf32>
      %max3A_1353 = arith.maximumf %scan3A_1336#3, %add3A_1345 : vector<16xf32>
      %min3A_1354 = arith.minimumf %scan3A_1336#4, %max3A_1353 : vector<16xf32>
      %max3A_1355 = arith.maximumf %scan3A_1336#4, %max3A_1353 : vector<16xf32>
      %min3A_1356 = arith.minimumf %scan3A_1336#5, %max3A_1355 : vector<16xf32>
      %select_n3A_1357 = arith.select %eq3A_4, %min3A_1352, %scan3A_1336#3 : vector<16xi1>, vector<16xf32>
      %select_n3A_1358 = arith.select %eq3A_4, %min3A_1354, %scan3A_1336#4 : vector<16xi1>, vector<16xf32>
      %select_n3A_1359 = arith.select %eq3A_4, %min3A_1356, %scan3A_1336#5 : vector<16xi1>, vector<16xf32>
      %broadcast_in_dim3A_1360 = vector.broadcast %mul3A_1320 : i32 to vector<16xi32>
      %broadcast_in_dim3A_1361 = vector.broadcast %add3A_1322 : i32 to vector<16xi32>
      %reduce_min3A = arith.constant true
      %reduce_min3A_1362 = vector.broadcast %reduce_min3A : i1 to vector<16xi1>
      %reduce_min3A_1363 = tpu.scan <min>, %select_n3A masked %reduce_min3A_1362 : vector<16xf32>, vector<16xi1> -> vector<16xf32>
      %reduce_min3A_1364 = vector.extract %reduce_min3A_1363[15] : f32 from vector<16xf32>
      %eq3A_1365 = vector.broadcast %reduce_min3A_1364 : f32 to vector<16xf32>
      %eq3A_1366 = arith.cmpf oeq, %select_n3A, %eq3A_1365 : vector<16xf32>
      %all_reduce_ffs3A = tpu.all_reduce %eq3A_1366 {dim = 0 : i64, kind = #tpu.reduction_kind<find_first_set>} : vector<16xi1> -> vector<16xi32>
      %eq3A_1367 = arith.cmpi eq, %iota3A, %all_reduce_ffs3A : vector<16xi32>
      %select_n3A_1368 = arith.select %eq3A_1367, %select_n3A_1350, %select_n3A : vector<16xi1>, vector<16xf32>
      %select_n3A_1369 = arith.select %eq3A_1367, %select_n3A_1351, %select_n3A_1350 : vector<16xi1>, vector<16xf32>
      %select_n3A_1370 = arith.select %eq3A_1367, %broadcast_in_dim3A_5, %select_n3A_1351 : vector<16xi1>, vector<16xf32>
      %reduce_min3A_1371 = arith.constant true
      %reduce_min3A_1372 = vector.broadcast %reduce_min3A_1371 : i1 to vector<16xi1>
      %reduce_min3A_1373 = tpu.scan <min>, %select_n3A_1368 masked %reduce_min3A_1372 : vector<16xf32>, vector<16xi1> -> vector<16xf32>
      %reduce_min3A_1374 = vector.extract %reduce_min3A_1373[15] : f32 from vector<16xf32>
      %eq3A_1375 = vector.broadcast %reduce_min3A_1374 : f32 to vector<16xf32>
      %eq3A_1376 = arith.cmpf oeq, %select_n3A_1368, %eq3A_1375 : vector<16xf32>
      %all_reduce_ffs3A_1377 = tpu.all_reduce %eq3A_1376 {dim = 0 : i64, kind = #tpu.reduction_kind<find_first_set>} : vector<16xi1> -> vector<16xi32>
      %eq3A_1378 = arith.cmpi eq, %iota3A, %all_reduce_ffs3A_1377 : vector<16xi32>
      %select_n3A_1379 = arith.select %eq3A_1378, %select_n3A_1369, %select_n3A_1368 : vector<16xi1>, vector<16xf32>
      %select_n3A_1380 = arith.select %eq3A_1378, %select_n3A_1370, %select_n3A_1369 : vector<16xi1>, vector<16xf32>
      %select_n3A_1381 = arith.select %eq3A_1378, %broadcast_in_dim3A_5, %select_n3A_1370 : vector<16xi1>, vector<16xf32>
      %reduce_min3A_1382 = arith.constant true
      %reduce_min3A_1383 = vector.broadcast %reduce_min3A_1382 : i1 to vector<16xi1>
      %reduce_min3A_1384 = tpu.scan <min>, %select_n3A_1379 masked %reduce_min3A_1383 : vector<16xf32>, vector<16xi1> -> vector<16xf32>
      %reduce_min3A_1385 = vector.extract %reduce_min3A_1384[15] : f32 from vector<16xf32>
      %broadcast_in_dim3A_1386 = vector.broadcast %reduce_min3A_1364 : f32 to vector<16xf32>
      tpu.vector_store_idx %arg14[%broadcast_in_dim3A_1360], %broadcast_in_dim3A_1386 masked %eq3A_4 : memref<128xf32, #tpu.memory_space<vmem>>[vector<16xi32>], vector<16xf32>, vector<16xi1>
      %broadcast_in_dim3A_1387 = vector.broadcast %reduce_min3A_1374 : f32 to vector<16xf32>
      tpu.vector_store_idx %arg15[%broadcast_in_dim3A_1360], %broadcast_in_dim3A_1387 masked %eq3A_4 : memref<128xf32, #tpu.memory_space<vmem>>[vector<16xi32>], vector<16xf32>, vector<16xi1>
      %broadcast_in_dim3A_1388 = vector.broadcast %reduce_min3A_1385 : f32 to vector<16xf32>
      tpu.vector_store_idx %arg16[%broadcast_in_dim3A_1360], %broadcast_in_dim3A_1388 masked %eq3A_4 : memref<128xf32, #tpu.memory_space<vmem>>[vector<16xi32>], vector<16xf32>, vector<16xi1>
      %reduce_min3A_1389 = arith.constant true
      %reduce_min3A_1390 = vector.broadcast %reduce_min3A_1389 : i1 to vector<16xi1>
      %reduce_min3A_1391 = tpu.scan <min>, %select_n3A_1357 masked %reduce_min3A_1390 : vector<16xf32>, vector<16xi1> -> vector<16xf32>
      %reduce_min3A_1392 = vector.extract %reduce_min3A_1391[15] : f32 from vector<16xf32>
      %eq3A_1393 = vector.broadcast %reduce_min3A_1392 : f32 to vector<16xf32>
      %eq3A_1394 = arith.cmpf oeq, %select_n3A_1357, %eq3A_1393 : vector<16xf32>
      %all_reduce_ffs3A_1395 = tpu.all_reduce %eq3A_1394 {dim = 0 : i64, kind = #tpu.reduction_kind<find_first_set>} : vector<16xi1> -> vector<16xi32>
      %eq3A_1396 = arith.cmpi eq, %iota3A, %all_reduce_ffs3A_1395 : vector<16xi32>
      %select_n3A_1397 = arith.select %eq3A_1396, %select_n3A_1358, %select_n3A_1357 : vector<16xi1>, vector<16xf32>
      %select_n3A_1398 = arith.select %eq3A_1396, %select_n3A_1359, %select_n3A_1358 : vector<16xi1>, vector<16xf32>
      %select_n3A_1399 = arith.select %eq3A_1396, %broadcast_in_dim3A_5, %select_n3A_1359 : vector<16xi1>, vector<16xf32>
      %reduce_min3A_1400 = arith.constant true
      %reduce_min3A_1401 = vector.broadcast %reduce_min3A_1400 : i1 to vector<16xi1>
      %reduce_min3A_1402 = tpu.scan <min>, %select_n3A_1397 masked %reduce_min3A_1401 : vector<16xf32>, vector<16xi1> -> vector<16xf32>
      %reduce_min3A_1403 = vector.extract %reduce_min3A_1402[15] : f32 from vector<16xf32>
      %eq3A_1404 = vector.broadcast %reduce_min3A_1403 : f32 to vector<16xf32>
      %eq3A_1405 = arith.cmpf oeq, %select_n3A_1397, %eq3A_1404 : vector<16xf32>
      %all_reduce_ffs3A_1406 = tpu.all_reduce %eq3A_1405 {dim = 0 : i64, kind = #tpu.reduction_kind<find_first_set>} : vector<16xi1> -> vector<16xi32>
      %eq3A_1407 = arith.cmpi eq, %iota3A, %all_reduce_ffs3A_1406 : vector<16xi32>
      %select_n3A_1408 = arith.select %eq3A_1407, %select_n3A_1398, %select_n3A_1397 : vector<16xi1>, vector<16xf32>
      %select_n3A_1409 = arith.select %eq3A_1407, %select_n3A_1399, %select_n3A_1398 : vector<16xi1>, vector<16xf32>
      %select_n3A_1410 = arith.select %eq3A_1407, %broadcast_in_dim3A_5, %select_n3A_1399 : vector<16xi1>, vector<16xf32>
      %reduce_min3A_1411 = arith.constant true
      %reduce_min3A_1412 = vector.broadcast %reduce_min3A_1411 : i1 to vector<16xi1>
      %reduce_min3A_1413 = tpu.scan <min>, %select_n3A_1408 masked %reduce_min3A_1412 : vector<16xf32>, vector<16xi1> -> vector<16xf32>
      %reduce_min3A_1414 = vector.extract %reduce_min3A_1413[15] : f32 from vector<16xf32>
      %broadcast_in_dim3A_1415 = vector.broadcast %reduce_min3A_1392 : f32 to vector<16xf32>
      tpu.vector_store_idx %arg14[%broadcast_in_dim3A_1361], %broadcast_in_dim3A_1415 masked %eq3A_4 : memref<128xf32, #tpu.memory_space<vmem>>[vector<16xi32>], vector<16xf32>, vector<16xi1>
      %broadcast_in_dim3A_1416 = vector.broadcast %reduce_min3A_1403 : f32 to vector<16xf32>
      tpu.vector_store_idx %arg15[%broadcast_in_dim3A_1361], %broadcast_in_dim3A_1416 masked %eq3A_4 : memref<128xf32, #tpu.memory_space<vmem>>[vector<16xi32>], vector<16xf32>, vector<16xi1>
      %broadcast_in_dim3A_1417 = vector.broadcast %reduce_min3A_1414 : f32 to vector<16xf32>
      tpu.vector_store_idx %arg16[%broadcast_in_dim3A_1361], %broadcast_in_dim3A_1417 masked %eq3A_4 : memref<128xf32, #tpu.memory_space<vmem>>[vector<16xi32>], vector<16xf32>, vector<16xi1>
      %scan3A_1418 = arith.constant 0 : i32
      scf.yield %scan3A_1418 : i32
    }
    %scan3A_11 = arith.constant 64 : i32
    %get3A = arith.constant 0 : index
    %get3A_12 = tpu.vector_load %arg14[%get3A] {strides = array<i32>} : memref<128xf32, #tpu.memory_space<vmem>>, vector<16xf32>,
    %bitcast3A = vector.bitcast %get3A_12 : vector<16xf32> to vector<16xi32>
    %shift_right_arithmetic3A = arith.constant 1 : i32
    %shift_right_arithmetic3A_13 = vector.broadcast %shift_right_arithmetic3A : i32 to vector<16xi32>
    %shift_right_arithmetic3A_14 = arith.shrsi %bitcast3A, %shift_right_arithmetic3A_13 : vector<16xi32>
    %sub3A = arith.constant 1597463007 : i32
    %sub3A_15 = vector.broadcast %sub3A : i32 to vector<16xi32>
    %sub3A_16 = arith.subi %sub3A_15, %shift_right_arithmetic3A_14 : vector<16xi32>
    %bitcast3A_17 = vector.bitcast %sub3A_16 : vector<16xi32> to vector<16xf32>
    %mul3A_18 = arith.constant 5.000000e-01 : f32
    %mul3A_19 = vector.broadcast %mul3A_18 : f32 to vector<16xf32>
    %mul3A_20 = arith.mulf %mul3A_19, %get3A_12 : vector<16xf32>
    %mul3A_21 = arith.mulf %mul3A_20, %bitcast3A_17 : vector<16xf32>
    %mul3A_22 = arith.mulf %mul3A_21, %bitcast3A_17 : vector<16xf32>
    %sub3A_23 = arith.constant 1.500000e+00 : f32
    %sub3A_24 = vector.broadcast %sub3A_23 : f32 to vector<16xf32>
    %sub3A_25 = arith.subf %sub3A_24, %mul3A_22 : vector<16xf32>
    %mul3A_26 = arith.mulf %bitcast3A_17, %sub3A_25 : vector<16xf32>
    %mul3A_27 = arith.constant 5.000000e-01 : f32
    %mul3A_28 = vector.broadcast %mul3A_27 : f32 to vector<16xf32>
    %mul3A_29 = arith.mulf %mul3A_28, %get3A_12 : vector<16xf32>
    %mul3A_30 = arith.mulf %mul3A_29, %mul3A_26 : vector<16xf32>
    %mul3A_31 = arith.mulf %mul3A_30, %mul3A_26 : vector<16xf32>
    %sub3A_32 = arith.constant 1.500000e+00 : f32
    %sub3A_33 = vector.broadcast %sub3A_32 : f32 to vector<16xf32>
    %sub3A_34 = arith.subf %sub3A_33, %mul3A_31 : vector<16xf32>
    %mul3A_35 = arith.mulf %mul3A_26, %sub3A_34 : vector<16xf32>
    %mul3A_36 = arith.constant 5.000000e-01 : f32
    %mul3A_37 = vector.broadcast %mul3A_36 : f32 to vector<16xf32>
    %mul3A_38 = arith.mulf %mul3A_37, %get3A_12 : vector<16xf32>
    %mul3A_39 = arith.mulf %mul3A_38, %mul3A_35 : vector<16xf32>
    %mul3A_40 = arith.mulf %mul3A_39, %mul3A_35 : vector<16xf32>
    %sub3A_41 = arith.constant 1.500000e+00 : f32
    %sub3A_42 = vector.broadcast %sub3A_41 : f32 to vector<16xf32>
    %sub3A_43 = arith.subf %sub3A_42, %mul3A_40 : vector<16xf32>
    %mul3A_44 = arith.mulf %mul3A_35, %sub3A_43 : vector<16xf32>
    %mul3A_45 = arith.constant 5.000000e-01 : f32
    %mul3A_46 = vector.broadcast %mul3A_45 : f32 to vector<16xf32>
    %mul3A_47 = arith.mulf %mul3A_46, %get3A_12 : vector<16xf32>
    %mul3A_48 = arith.mulf %mul3A_47, %mul3A_44 : vector<16xf32>
    %mul3A_49 = arith.mulf %mul3A_48, %mul3A_44 : vector<16xf32>
    %sub3A_50 = arith.constant 1.500000e+00 : f32
    %sub3A_51 = vector.broadcast %sub3A_50 : f32 to vector<16xf32>
    %sub3A_52 = arith.subf %sub3A_51, %mul3A_49 : vector<16xf32>
    %mul3A_53 = arith.mulf %mul3A_44, %sub3A_52 : vector<16xf32>
    %mul3A_54 = arith.mulf %get3A_12, %mul3A_53 : vector<16xf32>
    %get3A_55 = arith.constant 0 : index
    %get3A_56 = tpu.vector_load %arg15[%get3A_55] {strides = array<i32>} : memref<128xf32, #tpu.memory_space<vmem>>, vector<16xf32>,
    %bitcast3A_57 = vector.bitcast %get3A_56 : vector<16xf32> to vector<16xi32>
    %shift_right_arithmetic3A_58 = arith.constant 1 : i32
    %shift_right_arithmetic3A_59 = vector.broadcast %shift_right_arithmetic3A_58 : i32 to vector<16xi32>
    %shift_right_arithmetic3A_60 = arith.shrsi %bitcast3A_57, %shift_right_arithmetic3A_59 : vector<16xi32>
    %sub3A_61 = arith.constant 1597463007 : i32
    %sub3A_62 = vector.broadcast %sub3A_61 : i32 to vector<16xi32>
    %sub3A_63 = arith.subi %sub3A_62, %shift_right_arithmetic3A_60 : vector<16xi32>
    %bitcast3A_64 = vector.bitcast %sub3A_63 : vector<16xi32> to vector<16xf32>
    %mul3A_65 = arith.constant 5.000000e-01 : f32
    %mul3A_66 = vector.broadcast %mul3A_65 : f32 to vector<16xf32>
    %mul3A_67 = arith.mulf %mul3A_66, %get3A_56 : vector<16xf32>
    %mul3A_68 = arith.mulf %mul3A_67, %bitcast3A_64 : vector<16xf32>
    %mul3A_69 = arith.mulf %mul3A_68, %bitcast3A_64 : vector<16xf32>
    %sub3A_70 = arith.constant 1.500000e+00 : f32
    %sub3A_71 = vector.broadcast %sub3A_70 : f32 to vector<16xf32>
    %sub3A_72 = arith.subf %sub3A_71, %mul3A_69 : vector<16xf32>
    %mul3A_73 = arith.mulf %bitcast3A_64, %sub3A_72 : vector<16xf32>
    %mul3A_74 = arith.constant 5.000000e-01 : f32
    %mul3A_75 = vector.broadcast %mul3A_74 : f32 to vector<16xf32>
    %mul3A_76 = arith.mulf %mul3A_75, %get3A_56 : vector<16xf32>
    %mul3A_77 = arith.mulf %mul3A_76, %mul3A_73 : vector<16xf32>
    %mul3A_78 = arith.mulf %mul3A_77, %mul3A_73 : vector<16xf32>
    %sub3A_79 = arith.constant 1.500000e+00 : f32
    %sub3A_80 = vector.broadcast %sub3A_79 : f32 to vector<16xf32>
    %sub3A_81 = arith.subf %sub3A_80, %mul3A_78 : vector<16xf32>
    %mul3A_82 = arith.mulf %mul3A_73, %sub3A_81 : vector<16xf32>
    %mul3A_83 = arith.constant 5.000000e-01 : f32
    %mul3A_84 = vector.broadcast %mul3A_83 : f32 to vector<16xf32>
    %mul3A_85 = arith.mulf %mul3A_84, %get3A_56 : vector<16xf32>
    %mul3A_86 = arith.mulf %mul3A_85, %mul3A_82 : vector<16xf32>
    %mul3A_87 = arith.mulf %mul3A_86, %mul3A_82 : vector<16xf32>
    %sub3A_88 = arith.constant 1.500000e+00 : f32
    %sub3A_89 = vector.broadcast %sub3A_88 : f32 to vector<16xf32>
    %sub3A_90 = arith.subf %sub3A_89, %mul3A_87 : vector<16xf32>
    %mul3A_91 = arith.mulf %mul3A_82, %sub3A_90 : vector<16xf32>
    %mul3A_92 = arith.constant 5.000000e-01 : f32
    %mul3A_93 = vector.broadcast %mul3A_92 : f32 to vector<16xf32>
    %mul3A_94 = arith.mulf %mul3A_93, %get3A_56 : vector<16xf32>
    %mul3A_95 = arith.mulf %mul3A_94, %mul3A_91 : vector<16xf32>
    %mul3A_96 = arith.mulf %mul3A_95, %mul3A_91 : vector<16xf32>
    %sub3A_97 = arith.constant 1.500000e+00 : f32
    %sub3A_98 = vector.broadcast %sub3A_97 : f32 to vector<16xf32>
    %sub3A_99 = arith.subf %sub3A_98, %mul3A_96 : vector<16xf32>
    %mul3A_100 = arith.mulf %mul3A_91, %sub3A_99 : vector<16xf32>
    %mul3A_101 = arith.mulf %get3A_56, %mul3A_100 : vector<16xf32>
    %add3A_102 = arith.addf %mul3A_54, %mul3A_101 : vector<16xf32>
    %get3A_103 = arith.constant 0 : index
    %get3A_104 = tpu.vector_load %arg16[%get3A_103] {strides = array<i32>} : memref<128xf32, #tpu.memory_space<vmem>>, vector<16xf32>,
    %bitcast3A_105 = vector.bitcast %get3A_104 : vector<16xf32> to vector<16xi32>
    %shift_right_arithmetic3A_106 = arith.constant 1 : i32
    %shift_right_arithmetic3A_107 = vector.broadcast %shift_right_arithmetic3A_106 : i32 to vector<16xi32>
    %shift_right_arithmetic3A_108 = arith.shrsi %bitcast3A_105, %shift_right_arithmetic3A_107 : vector<16xi32>
    %sub3A_109 = arith.constant 1597463007 : i32
    %sub3A_110 = vector.broadcast %sub3A_109 : i32 to vector<16xi32>
    %sub3A_111 = arith.subi %sub3A_110, %shift_right_arithmetic3A_108 : vector<16xi32>
    %bitcast3A_112 = vector.bitcast %sub3A_111 : vector<16xi32> to vector<16xf32>
    %mul3A_113 = arith.constant 5.000000e-01 : f32
    %mul3A_114 = vector.broadcast %mul3A_113 : f32 to vector<16xf32>
    %mul3A_115 = arith.mulf %mul3A_114, %get3A_104 : vector<16xf32>
    %mul3A_116 = arith.mulf %mul3A_115, %bitcast3A_112 : vector<16xf32>
    %mul3A_117 = arith.mulf %mul3A_116, %bitcast3A_112 : vector<16xf32>
    %sub3A_118 = arith.constant 1.500000e+00 : f32
    %sub3A_119 = vector.broadcast %sub3A_118 : f32 to vector<16xf32>
    %sub3A_120 = arith.subf %sub3A_119, %mul3A_117 : vector<16xf32>
    %mul3A_121 = arith.mulf %bitcast3A_112, %sub3A_120 : vector<16xf32>
    %mul3A_122 = arith.constant 5.000000e-01 : f32
    %mul3A_123 = vector.broadcast %mul3A_122 : f32 to vector<16xf32>
    %mul3A_124 = arith.mulf %mul3A_123, %get3A_104 : vector<16xf32>
    %mul3A_125 = arith.mulf %mul3A_124, %mul3A_121 : vector<16xf32>
    %mul3A_126 = arith.mulf %mul3A_125, %mul3A_121 : vector<16xf32>
    %sub3A_127 = arith.constant 1.500000e+00 : f32
    %sub3A_128 = vector.broadcast %sub3A_127 : f32 to vector<16xf32>
    %sub3A_129 = arith.subf %sub3A_128, %mul3A_126 : vector<16xf32>
    %mul3A_130 = arith.mulf %mul3A_121, %sub3A_129 : vector<16xf32>
    %mul3A_131 = arith.constant 5.000000e-01 : f32
    %mul3A_132 = vector.broadcast %mul3A_131 : f32 to vector<16xf32>
    %mul3A_133 = arith.mulf %mul3A_132, %get3A_104 : vector<16xf32>
    %mul3A_134 = arith.mulf %mul3A_133, %mul3A_130 : vector<16xf32>
    %mul3A_135 = arith.mulf %mul3A_134, %mul3A_130 : vector<16xf32>
    %sub3A_136 = arith.constant 1.500000e+00 : f32
    %sub3A_137 = vector.broadcast %sub3A_136 : f32 to vector<16xf32>
    %sub3A_138 = arith.subf %sub3A_137, %mul3A_135 : vector<16xf32>
    %mul3A_139 = arith.mulf %mul3A_130, %sub3A_138 : vector<16xf32>
    %mul3A_140 = arith.constant 5.000000e-01 : f32
    %mul3A_141 = vector.broadcast %mul3A_140 : f32 to vector<16xf32>
    %mul3A_142 = arith.mulf %mul3A_141, %get3A_104 : vector<16xf32>
    %mul3A_143 = arith.mulf %mul3A_142, %mul3A_139 : vector<16xf32>
    %mul3A_144 = arith.mulf %mul3A_143, %mul3A_139 : vector<16xf32>
    %sub3A_145 = arith.constant 1.500000e+00 : f32
    %sub3A_146 = vector.broadcast %sub3A_145 : f32 to vector<16xf32>
    %sub3A_147 = arith.subf %sub3A_146, %mul3A_144 : vector<16xf32>
    %mul3A_148 = arith.mulf %mul3A_139, %sub3A_147 : vector<16xf32>
    %mul3A_149 = arith.mulf %get3A_104, %mul3A_148 : vector<16xf32>
    %add3A_150 = arith.addf %add3A_102, %mul3A_149 : vector<16xf32>
    %div3A = arith.constant 3.000000e+00 : f32
    %div3A_151 = vector.broadcast %div3A : f32 to vector<16xf32>
    %div3A_152 = arith.divf %add3A_150, %div3A_151 : vector<16xf32>
    %max3A = arith.constant 9.99999974E-6 : f32
    %max3A_153 = vector.broadcast %max3A : f32 to vector<16xf32>
    %max3A_154 = arith.maximumf %div3A_152, %max3A_153 : vector<16xf32>
    %get3A_155 = arith.constant 0 : index
    %get3A_156 = tpu.vector_load %arg17[%get3A_155] {strides = array<i32>} : memref<128xf32, #tpu.memory_space<vmem>>, vector<16xf32>,
    %mul3A_157 = arith.mulf %max3A_154, %get3A_156 : vector<16xf32>
    %swap3A = arith.constant 0 : index
    %swap3A_158 = tpu.vector_load %arg20[%swap3A] {strides = array<i32>} : memref<128xf32, #tpu.memory_space<vmem>>, vector<16xf32>,
    tpu.vector_store %arg20[%swap3A], %mul3A_157 {strides = array<i32>} : memref<128xf32, #tpu.memory_space<vmem>>, vector<16xf32>,
    %get3A_159 = arith.constant 0 : index
    %get3A_160 = tpu.vector_load %arg18[%get3A_159] {strides = array<i32>} : memref<128xf32, #tpu.memory_space<vmem>>, vector<16xf32>,
    %mul3A_161 = arith.mulf %max3A_154, %get3A_160 : vector<16xf32>
    %swap3A_162 = arith.constant 0 : index
    %swap3A_163 = tpu.vector_load %arg21[%swap3A_162] {strides = array<i32>} : memref<128xf32, #tpu.memory_space<vmem>>, vector<16xf32>,
    tpu.vector_store %arg21[%swap3A_162], %mul3A_161 {strides = array<i32>} : memref<128xf32, #tpu.memory_space<vmem>>, vector<16xf32>,
    %get3A_164 = arith.constant 0 : index
    %get3A_165 = tpu.vector_load %arg19[%get3A_164] {strides = array<i32>} : memref<128xf32, #tpu.memory_space<vmem>>, vector<16xf32>,
    %mul3A_166 = arith.mulf %max3A_154, %get3A_165 : vector<16xf32>
    %swap3A_167 = arith.constant 0 : index
    %swap3A_168 = tpu.vector_load %arg22[%swap3A_167] {strides = array<i32>} : memref<128xf32, #tpu.memory_space<vmem>>, vector<16xf32>,
    tpu.vector_store %arg22[%swap3A_167], %mul3A_166 {strides = array<i32>} : memref<128xf32, #tpu.memory_space<vmem>>, vector<16xf32>,
    %get3A_169 = arith.constant 16 : index
    %get3A_170 = tpu.vector_load %arg14[%get3A_169] {strides = array<i32>} : memref<128xf32, #tpu.memory_space<vmem>>, vector<16xf32>,
    %bitcast3A_171 = vector.bitcast %get3A_170 : vector<16xf32> to vector<16xi32>
    %shift_right_arithmetic3A_172 = arith.constant 1 : i32
    %shift_right_arithmetic3A_173 = vector.broadcast %shift_right_arithmetic3A_172 : i32 to vector<16xi32>
    %shift_right_arithmetic3A_174 = arith.shrsi %bitcast3A_171, %shift_right_arithmetic3A_173 : vector<16xi32>
    %sub3A_175 = arith.constant 1597463007 : i32
    %sub3A_176 = vector.broadcast %sub3A_175 : i32 to vector<16xi32>
    %sub3A_177 = arith.subi %sub3A_176, %shift_right_arithmetic3A_174 : vector<16xi32>
    %bitcast3A_178 = vector.bitcast %sub3A_177 : vector<16xi32> to vector<16xf32>
    %mul3A_179 = arith.constant 5.000000e-01 : f32
    %mul3A_180 = vector.broadcast %mul3A_179 : f32 to vector<16xf32>
    %mul3A_181 = arith.mulf %mul3A_180, %get3A_170 : vector<16xf32>
    %mul3A_182 = arith.mulf %mul3A_181, %bitcast3A_178 : vector<16xf32>
    %mul3A_183 = arith.mulf %mul3A_182, %bitcast3A_178 : vector<16xf32>
    %sub3A_184 = arith.constant 1.500000e+00 : f32
    %sub3A_185 = vector.broadcast %sub3A_184 : f32 to vector<16xf32>
    %sub3A_186 = arith.subf %sub3A_185, %mul3A_183 : vector<16xf32>
    %mul3A_187 = arith.mulf %bitcast3A_178, %sub3A_186 : vector<16xf32>
    %mul3A_188 = arith.constant 5.000000e-01 : f32
    %mul3A_189 = vector.broadcast %mul3A_188 : f32 to vector<16xf32>
    %mul3A_190 = arith.mulf %mul3A_189, %get3A_170 : vector<16xf32>
    %mul3A_191 = arith.mulf %mul3A_190, %mul3A_187 : vector<16xf32>
    %mul3A_192 = arith.mulf %mul3A_191, %mul3A_187 : vector<16xf32>
    %sub3A_193 = arith.constant 1.500000e+00 : f32
    %sub3A_194 = vector.broadcast %sub3A_193 : f32 to vector<16xf32>
    %sub3A_195 = arith.subf %sub3A_194, %mul3A_192 : vector<16xf32>
    %mul3A_196 = arith.mulf %mul3A_187, %sub3A_195 : vector<16xf32>
    %mul3A_197 = arith.constant 5.000000e-01 : f32
    %mul3A_198 = vector.broadcast %mul3A_197 : f32 to vector<16xf32>
    %mul3A_199 = arith.mulf %mul3A_198, %get3A_170 : vector<16xf32>
    %mul3A_200 = arith.mulf %mul3A_199, %mul3A_196 : vector<16xf32>
    %mul3A_201 = arith.mulf %mul3A_200, %mul3A_196 : vector<16xf32>
    %sub3A_202 = arith.constant 1.500000e+00 : f32
    %sub3A_203 = vector.broadcast %sub3A_202 : f32 to vector<16xf32>
    %sub3A_204 = arith.subf %sub3A_203, %mul3A_201 : vector<16xf32>
    %mul3A_205 = arith.mulf %mul3A_196, %sub3A_204 : vector<16xf32>
    %mul3A_206 = arith.constant 5.000000e-01 : f32
    %mul3A_207 = vector.broadcast %mul3A_206 : f32 to vector<16xf32>
    %mul3A_208 = arith.mulf %mul3A_207, %get3A_170 : vector<16xf32>
    %mul3A_209 = arith.mulf %mul3A_208, %mul3A_205 : vector<16xf32>
    %mul3A_210 = arith.mulf %mul3A_209, %mul3A_205 : vector<16xf32>
    %sub3A_211 = arith.constant 1.500000e+00 : f32
    %sub3A_212 = vector.broadcast %sub3A_211 : f32 to vector<16xf32>
    %sub3A_213 = arith.subf %sub3A_212, %mul3A_210 : vector<16xf32>
    %mul3A_214 = arith.mulf %mul3A_205, %sub3A_213 : vector<16xf32>
    %mul3A_215 = arith.mulf %get3A_170, %mul3A_214 : vector<16xf32>
    %get3A_216 = arith.constant 16 : index
    %get3A_217 = tpu.vector_load %arg15[%get3A_216] {strides = array<i32>} : memref<128xf32, #tpu.memory_space<vmem>>, vector<16xf32>,
    %bitcast3A_218 = vector.bitcast %get3A_217 : vector<16xf32> to vector<16xi32>
    %shift_right_arithmetic3A_219 = arith.constant 1 : i32
    %shift_right_arithmetic3A_220 = vector.broadcast %shift_right_arithmetic3A_219 : i32 to vector<16xi32>
    %shift_right_arithmetic3A_221 = arith.shrsi %bitcast3A_218, %shift_right_arithmetic3A_220 : vector<16xi32>
    %sub3A_222 = arith.constant 1597463007 : i32
    %sub3A_223 = vector.broadcast %sub3A_222 : i32 to vector<16xi32>
    %sub3A_224 = arith.subi %sub3A_223, %shift_right_arithmetic3A_221 : vector<16xi32>
    %bitcast3A_225 = vector.bitcast %sub3A_224 : vector<16xi32> to vector<16xf32>
    %mul3A_226 = arith.constant 5.000000e-01 : f32
    %mul3A_227 = vector.broadcast %mul3A_226 : f32 to vector<16xf32>
    %mul3A_228 = arith.mulf %mul3A_227, %get3A_217 : vector<16xf32>
    %mul3A_229 = arith.mulf %mul3A_228, %bitcast3A_225 : vector<16xf32>
    %mul3A_230 = arith.mulf %mul3A_229, %bitcast3A_225 : vector<16xf32>
    %sub3A_231 = arith.constant 1.500000e+00 : f32
    %sub3A_232 = vector.broadcast %sub3A_231 : f32 to vector<16xf32>
    %sub3A_233 = arith.subf %sub3A_232, %mul3A_230 : vector<16xf32>
    %mul3A_234 = arith.mulf %bitcast3A_225, %sub3A_233 : vector<16xf32>
    %mul3A_235 = arith.constant 5.000000e-01 : f32
    %mul3A_236 = vector.broadcast %mul3A_235 : f32 to vector<16xf32>
    %mul3A_237 = arith.mulf %mul3A_236, %get3A_217 : vector<16xf32>
    %mul3A_238 = arith.mulf %mul3A_237, %mul3A_234 : vector<16xf32>
    %mul3A_239 = arith.mulf %mul3A_238, %mul3A_234 : vector<16xf32>
    %sub3A_240 = arith.constant 1.500000e+00 : f32
    %sub3A_241 = vector.broadcast %sub3A_240 : f32 to vector<16xf32>
    %sub3A_242 = arith.subf %sub3A_241, %mul3A_239 : vector<16xf32>
    %mul3A_243 = arith.mulf %mul3A_234, %sub3A_242 : vector<16xf32>
    %mul3A_244 = arith.constant 5.000000e-01 : f32
    %mul3A_245 = vector.broadcast %mul3A_244 : f32 to vector<16xf32>
    %mul3A_246 = arith.mulf %mul3A_245, %get3A_217 : vector<16xf32>
    %mul3A_247 = arith.mulf %mul3A_246, %mul3A_243 : vector<16xf32>
    %mul3A_248 = arith.mulf %mul3A_247, %mul3A_243 : vector<16xf32>
    %sub3A_249 = arith.constant 1.500000e+00 : f32
    %sub3A_250 = vector.broadcast %sub3A_249 : f32 to vector<16xf32>
    %sub3A_251 = arith.subf %sub3A_250, %mul3A_248 : vector<16xf32>
    %mul3A_252 = arith.mulf %mul3A_243, %sub3A_251 : vector<16xf32>
    %mul3A_253 = arith.constant 5.000000e-01 : f32
    %mul3A_254 = vector.broadcast %mul3A_253 : f32 to vector<16xf32>
    %mul3A_255 = arith.mulf %mul3A_254, %get3A_217 : vector<16xf32>
    %mul3A_256 = arith.mulf %mul3A_255, %mul3A_252 : vector<16xf32>
    %mul3A_257 = arith.mulf %mul3A_256, %mul3A_252 : vector<16xf32>
    %sub3A_258 = arith.constant 1.500000e+00 : f32
    %sub3A_259 = vector.broadcast %sub3A_258 : f32 to vector<16xf32>
    %sub3A_260 = arith.subf %sub3A_259, %mul3A_257 : vector<16xf32>
    %mul3A_261 = arith.mulf %mul3A_252, %sub3A_260 : vector<16xf32>
    %mul3A_262 = arith.mulf %get3A_217, %mul3A_261 : vector<16xf32>
    %add3A_263 = arith.addf %mul3A_215, %mul3A_262 : vector<16xf32>
    %get3A_264 = arith.constant 16 : index
    %get3A_265 = tpu.vector_load %arg16[%get3A_264] {strides = array<i32>} : memref<128xf32, #tpu.memory_space<vmem>>, vector<16xf32>,
    %bitcast3A_266 = vector.bitcast %get3A_265 : vector<16xf32> to vector<16xi32>
    %shift_right_arithmetic3A_267 = arith.constant 1 : i32
    %shift_right_arithmetic3A_268 = vector.broadcast %shift_right_arithmetic3A_267 : i32 to vector<16xi32>
    %shift_right_arithmetic3A_269 = arith.shrsi %bitcast3A_266, %shift_right_arithmetic3A_268 : vector<16xi32>
    %sub3A_270 = arith.constant 1597463007 : i32
    %sub3A_271 = vector.broadcast %sub3A_270 : i32 to vector<16xi32>
    %sub3A_272 = arith.subi %sub3A_271, %shift_right_arithmetic3A_269 : vector<16xi32>
    %bitcast3A_273 = vector.bitcast %sub3A_272 : vector<16xi32> to vector<16xf32>
    %mul3A_274 = arith.constant 5.000000e-01 : f32
    %mul3A_275 = vector.broadcast %mul3A_274 : f32 to vector<16xf32>
    %mul3A_276 = arith.mulf %mul3A_275, %get3A_265 : vector<16xf32>
    %mul3A_277 = arith.mulf %mul3A_276, %bitcast3A_273 : vector<16xf32>
    %mul3A_278 = arith.mulf %mul3A_277, %bitcast3A_273 : vector<16xf32>
    %sub3A_279 = arith.constant 1.500000e+00 : f32
    %sub3A_280 = vector.broadcast %sub3A_279 : f32 to vector<16xf32>
    %sub3A_281 = arith.subf %sub3A_280, %mul3A_278 : vector<16xf32>
    %mul3A_282 = arith.mulf %bitcast3A_273, %sub3A_281 : vector<16xf32>
    %mul3A_283 = arith.constant 5.000000e-01 : f32
    %mul3A_284 = vector.broadcast %mul3A_283 : f32 to vector<16xf32>
    %mul3A_285 = arith.mulf %mul3A_284, %get3A_265 : vector<16xf32>
    %mul3A_286 = arith.mulf %mul3A_285, %mul3A_282 : vector<16xf32>
    %mul3A_287 = arith.mulf %mul3A_286, %mul3A_282 : vector<16xf32>
    %sub3A_288 = arith.constant 1.500000e+00 : f32
    %sub3A_289 = vector.broadcast %sub3A_288 : f32 to vector<16xf32>
    %sub3A_290 = arith.subf %sub3A_289, %mul3A_287 : vector<16xf32>
    %mul3A_291 = arith.mulf %mul3A_282, %sub3A_290 : vector<16xf32>
    %mul3A_292 = arith.constant 5.000000e-01 : f32
    %mul3A_293 = vector.broadcast %mul3A_292 : f32 to vector<16xf32>
    %mul3A_294 = arith.mulf %mul3A_293, %get3A_265 : vector<16xf32>
    %mul3A_295 = arith.mulf %mul3A_294, %mul3A_291 : vector<16xf32>
    %mul3A_296 = arith.mulf %mul3A_295, %mul3A_291 : vector<16xf32>
    %sub3A_297 = arith.constant 1.500000e+00 : f32
    %sub3A_298 = vector.broadcast %sub3A_297 : f32 to vector<16xf32>
    %sub3A_299 = arith.subf %sub3A_298, %mul3A_296 : vector<16xf32>
    %mul3A_300 = arith.mulf %mul3A_291, %sub3A_299 : vector<16xf32>
    %mul3A_301 = arith.constant 5.000000e-01 : f32
    %mul3A_302 = vector.broadcast %mul3A_301 : f32 to vector<16xf32>
    %mul3A_303 = arith.mulf %mul3A_302, %get3A_265 : vector<16xf32>
    %mul3A_304 = arith.mulf %mul3A_303, %mul3A_300 : vector<16xf32>
    %mul3A_305 = arith.mulf %mul3A_304, %mul3A_300 : vector<16xf32>
    %sub3A_306 = arith.constant 1.500000e+00 : f32
    %sub3A_307 = vector.broadcast %sub3A_306 : f32 to vector<16xf32>
    %sub3A_308 = arith.subf %sub3A_307, %mul3A_305 : vector<16xf32>
    %mul3A_309 = arith.mulf %mul3A_300, %sub3A_308 : vector<16xf32>
    %mul3A_310 = arith.mulf %get3A_265, %mul3A_309 : vector<16xf32>
    %add3A_311 = arith.addf %add3A_263, %mul3A_310 : vector<16xf32>
    %div3A_312 = arith.constant 3.000000e+00 : f32
    %div3A_313 = vector.broadcast %div3A_312 : f32 to vector<16xf32>
    %div3A_314 = arith.divf %add3A_311, %div3A_313 : vector<16xf32>
    %max3A_315 = arith.constant 9.99999974E-6 : f32
    %max3A_316 = vector.broadcast %max3A_315 : f32 to vector<16xf32>
    %max3A_317 = arith.maximumf %div3A_314, %max3A_316 : vector<16xf32>
    %get3A_318 = arith.constant 16 : index
    %get3A_319 = tpu.vector_load %arg17[%get3A_318] {strides = array<i32>} : memref<128xf32, #tpu.memory_space<vmem>>, vector<16xf32>,
    %mul3A_320 = arith.mulf %max3A_317, %get3A_319 : vector<16xf32>
    %swap3A_321 = arith.constant 16 : index
    %swap3A_322 = tpu.vector_load %arg20[%swap3A_321] {strides = array<i32>} : memref<128xf32, #tpu.memory_space<vmem>>, vector<16xf32>,
    tpu.vector_store %arg20[%swap3A_321], %mul3A_320 {strides = array<i32>} : memref<128xf32, #tpu.memory_space<vmem>>, vector<16xf32>,
    %get3A_323 = arith.constant 16 : index
    %get3A_324 = tpu.vector_load %arg18[%get3A_323] {strides = array<i32>} : memref<128xf32, #tpu.memory_space<vmem>>, vector<16xf32>,
    %mul3A_325 = arith.mulf %max3A_317, %get3A_324 : vector<16xf32>
    %swap3A_326 = arith.constant 16 : index
    %swap3A_327 = tpu.vector_load %arg21[%swap3A_326] {strides = array<i32>} : memref<128xf32, #tpu.memory_space<vmem>>, vector<16xf32>,
    tpu.vector_store %arg21[%swap3A_326], %mul3A_325 {strides = array<i32>} : memref<128xf32, #tpu.memory_space<vmem>>, vector<16xf32>,
    %get3A_328 = arith.constant 16 : index
    %get3A_329 = tpu.vector_load %arg19[%get3A_328] {strides = array<i32>} : memref<128xf32, #tpu.memory_space<vmem>>, vector<16xf32>,
    %mul3A_330 = arith.mulf %max3A_317, %get3A_329 : vector<16xf32>
    %swap3A_331 = arith.constant 16 : index
    %swap3A_332 = tpu.vector_load %arg22[%swap3A_331] {strides = array<i32>} : memref<128xf32, #tpu.memory_space<vmem>>, vector<16xf32>,
    tpu.vector_store %arg22[%swap3A_331], %mul3A_330 {strides = array<i32>} : memref<128xf32, #tpu.memory_space<vmem>>, vector<16xf32>,
    %get3A_333 = arith.constant 32 : index
    %get3A_334 = tpu.vector_load %arg14[%get3A_333] {strides = array<i32>} : memref<128xf32, #tpu.memory_space<vmem>>, vector<16xf32>,
    %bitcast3A_335 = vector.bitcast %get3A_334 : vector<16xf32> to vector<16xi32>
    %shift_right_arithmetic3A_336 = arith.constant 1 : i32
    %shift_right_arithmetic3A_337 = vector.broadcast %shift_right_arithmetic3A_336 : i32 to vector<16xi32>
    %shift_right_arithmetic3A_338 = arith.shrsi %bitcast3A_335, %shift_right_arithmetic3A_337 : vector<16xi32>
    %sub3A_339 = arith.constant 1597463007 : i32
    %sub3A_340 = vector.broadcast %sub3A_339 : i32 to vector<16xi32>
    %sub3A_341 = arith.subi %sub3A_340, %shift_right_arithmetic3A_338 : vector<16xi32>
    %bitcast3A_342 = vector.bitcast %sub3A_341 : vector<16xi32> to vector<16xf32>
    %mul3A_343 = arith.constant 5.000000e-01 : f32
    %mul3A_344 = vector.broadcast %mul3A_343 : f32 to vector<16xf32>
    %mul3A_345 = arith.mulf %mul3A_344, %get3A_334 : vector<16xf32>
    %mul3A_346 = arith.mulf %mul3A_345, %bitcast3A_342 : vector<16xf32>
    %mul3A_347 = arith.mulf %mul3A_346, %bitcast3A_342 : vector<16xf32>
    %sub3A_348 = arith.constant 1.500000e+00 : f32
    %sub3A_349 = vector.broadcast %sub3A_348 : f32 to vector<16xf32>
    %sub3A_350 = arith.subf %sub3A_349, %mul3A_347 : vector<16xf32>
    %mul3A_351 = arith.mulf %bitcast3A_342, %sub3A_350 : vector<16xf32>
    %mul3A_352 = arith.constant 5.000000e-01 : f32
    %mul3A_353 = vector.broadcast %mul3A_352 : f32 to vector<16xf32>
    %mul3A_354 = arith.mulf %mul3A_353, %get3A_334 : vector<16xf32>
    %mul3A_355 = arith.mulf %mul3A_354, %mul3A_351 : vector<16xf32>
    %mul3A_356 = arith.mulf %mul3A_355, %mul3A_351 : vector<16xf32>
    %sub3A_357 = arith.constant 1.500000e+00 : f32
    %sub3A_358 = vector.broadcast %sub3A_357 : f32 to vector<16xf32>
    %sub3A_359 = arith.subf %sub3A_358, %mul3A_356 : vector<16xf32>
    %mul3A_360 = arith.mulf %mul3A_351, %sub3A_359 : vector<16xf32>
    %mul3A_361 = arith.constant 5.000000e-01 : f32
    %mul3A_362 = vector.broadcast %mul3A_361 : f32 to vector<16xf32>
    %mul3A_363 = arith.mulf %mul3A_362, %get3A_334 : vector<16xf32>
    %mul3A_364 = arith.mulf %mul3A_363, %mul3A_360 : vector<16xf32>
    %mul3A_365 = arith.mulf %mul3A_364, %mul3A_360 : vector<16xf32>
    %sub3A_366 = arith.constant 1.500000e+00 : f32
    %sub3A_367 = vector.broadcast %sub3A_366 : f32 to vector<16xf32>
    %sub3A_368 = arith.subf %sub3A_367, %mul3A_365 : vector<16xf32>
    %mul3A_369 = arith.mulf %mul3A_360, %sub3A_368 : vector<16xf32>
    %mul3A_370 = arith.constant 5.000000e-01 : f32
    %mul3A_371 = vector.broadcast %mul3A_370 : f32 to vector<16xf32>
    %mul3A_372 = arith.mulf %mul3A_371, %get3A_334 : vector<16xf32>
    %mul3A_373 = arith.mulf %mul3A_372, %mul3A_369 : vector<16xf32>
    %mul3A_374 = arith.mulf %mul3A_373, %mul3A_369 : vector<16xf32>
    %sub3A_375 = arith.constant 1.500000e+00 : f32
    %sub3A_376 = vector.broadcast %sub3A_375 : f32 to vector<16xf32>
    %sub3A_377 = arith.subf %sub3A_376, %mul3A_374 : vector<16xf32>
    %mul3A_378 = arith.mulf %mul3A_369, %sub3A_377 : vector<16xf32>
    %mul3A_379 = arith.mulf %get3A_334, %mul3A_378 : vector<16xf32>
    %get3A_380 = arith.constant 32 : index
    %get3A_381 = tpu.vector_load %arg15[%get3A_380] {strides = array<i32>} : memref<128xf32, #tpu.memory_space<vmem>>, vector<16xf32>,
    %bitcast3A_382 = vector.bitcast %get3A_381 : vector<16xf32> to vector<16xi32>
    %shift_right_arithmetic3A_383 = arith.constant 1 : i32
    %shift_right_arithmetic3A_384 = vector.broadcast %shift_right_arithmetic3A_383 : i32 to vector<16xi32>
    %shift_right_arithmetic3A_385 = arith.shrsi %bitcast3A_382, %shift_right_arithmetic3A_384 : vector<16xi32>
    %sub3A_386 = arith.constant 1597463007 : i32
    %sub3A_387 = vector.broadcast %sub3A_386 : i32 to vector<16xi32>
    %sub3A_388 = arith.subi %sub3A_387, %shift_right_arithmetic3A_385 : vector<16xi32>
    %bitcast3A_389 = vector.bitcast %sub3A_388 : vector<16xi32> to vector<16xf32>
    %mul3A_390 = arith.constant 5.000000e-01 : f32
    %mul3A_391 = vector.broadcast %mul3A_390 : f32 to vector<16xf32>
    %mul3A_392 = arith.mulf %mul3A_391, %get3A_381 : vector<16xf32>
    %mul3A_393 = arith.mulf %mul3A_392, %bitcast3A_389 : vector<16xf32>
    %mul3A_394 = arith.mulf %mul3A_393, %bitcast3A_389 : vector<16xf32>
    %sub3A_395 = arith.constant 1.500000e+00 : f32
    %sub3A_396 = vector.broadcast %sub3A_395 : f32 to vector<16xf32>
    %sub3A_397 = arith.subf %sub3A_396, %mul3A_394 : vector<16xf32>
    %mul3A_398 = arith.mulf %bitcast3A_389, %sub3A_397 : vector<16xf32>
    %mul3A_399 = arith.constant 5.000000e-01 : f32
    %mul3A_400 = vector.broadcast %mul3A_399 : f32 to vector<16xf32>
    %mul3A_401 = arith.mulf %mul3A_400, %get3A_381 : vector<16xf32>
    %mul3A_402 = arith.mulf %mul3A_401, %mul3A_398 : vector<16xf32>
    %mul3A_403 = arith.mulf %mul3A_402, %mul3A_398 : vector<16xf32>
    %sub3A_404 = arith.constant 1.500000e+00 : f32
    %sub3A_405 = vector.broadcast %sub3A_404 : f32 to vector<16xf32>
    %sub3A_406 = arith.subf %sub3A_405, %mul3A_403 : vector<16xf32>
    %mul3A_407 = arith.mulf %mul3A_398, %sub3A_406 : vector<16xf32>
    %mul3A_408 = arith.constant 5.000000e-01 : f32
    %mul3A_409 = vector.broadcast %mul3A_408 : f32 to vector<16xf32>
    %mul3A_410 = arith.mulf %mul3A_409, %get3A_381 : vector<16xf32>
    %mul3A_411 = arith.mulf %mul3A_410, %mul3A_407 : vector<16xf32>
    %mul3A_412 = arith.mulf %mul3A_411, %mul3A_407 : vector<16xf32>
    %sub3A_413 = arith.constant 1.500000e+00 : f32
    %sub3A_414 = vector.broadcast %sub3A_413 : f32 to vector<16xf32>
    %sub3A_415 = arith.subf %sub3A_414, %mul3A_412 : vector<16xf32>
    %mul3A_416 = arith.mulf %mul3A_407, %sub3A_415 : vector<16xf32>
    %mul3A_417 = arith.constant 5.000000e-01 : f32
    %mul3A_418 = vector.broadcast %mul3A_417 : f32 to vector<16xf32>
    %mul3A_419 = arith.mulf %mul3A_418, %get3A_381 : vector<16xf32>
    %mul3A_420 = arith.mulf %mul3A_419, %mul3A_416 : vector<16xf32>
    %mul3A_421 = arith.mulf %mul3A_420, %mul3A_416 : vector<16xf32>
    %sub3A_422 = arith.constant 1.500000e+00 : f32
    %sub3A_423 = vector.broadcast %sub3A_422 : f32 to vector<16xf32>
    %sub3A_424 = arith.subf %sub3A_423, %mul3A_421 : vector<16xf32>
    %mul3A_425 = arith.mulf %mul3A_416, %sub3A_424 : vector<16xf32>
    %mul3A_426 = arith.mulf %get3A_381, %mul3A_425 : vector<16xf32>
    %add3A_427 = arith.addf %mul3A_379, %mul3A_426 : vector<16xf32>
    %get3A_428 = arith.constant 32 : index
    %get3A_429 = tpu.vector_load %arg16[%get3A_428] {strides = array<i32>} : memref<128xf32, #tpu.memory_space<vmem>>, vector<16xf32>,
    %bitcast3A_430 = vector.bitcast %get3A_429 : vector<16xf32> to vector<16xi32>
    %shift_right_arithmetic3A_431 = arith.constant 1 : i32
    %shift_right_arithmetic3A_432 = vector.broadcast %shift_right_arithmetic3A_431 : i32 to vector<16xi32>
    %shift_right_arithmetic3A_433 = arith.shrsi %bitcast3A_430, %shift_right_arithmetic3A_432 : vector<16xi32>
    %sub3A_434 = arith.constant 1597463007 : i32
    %sub3A_435 = vector.broadcast %sub3A_434 : i32 to vector<16xi32>
    %sub3A_436 = arith.subi %sub3A_435, %shift_right_arithmetic3A_433 : vector<16xi32>
    %bitcast3A_437 = vector.bitcast %sub3A_436 : vector<16xi32> to vector<16xf32>
    %mul3A_438 = arith.constant 5.000000e-01 : f32
    %mul3A_439 = vector.broadcast %mul3A_438 : f32 to vector<16xf32>
    %mul3A_440 = arith.mulf %mul3A_439, %get3A_429 : vector<16xf32>
    %mul3A_441 = arith.mulf %mul3A_440, %bitcast3A_437 : vector<16xf32>
    %mul3A_442 = arith.mulf %mul3A_441, %bitcast3A_437 : vector<16xf32>
    %sub3A_443 = arith.constant 1.500000e+00 : f32
    %sub3A_444 = vector.broadcast %sub3A_443 : f32 to vector<16xf32>
    %sub3A_445 = arith.subf %sub3A_444, %mul3A_442 : vector<16xf32>
    %mul3A_446 = arith.mulf %bitcast3A_437, %sub3A_445 : vector<16xf32>
    %mul3A_447 = arith.constant 5.000000e-01 : f32
    %mul3A_448 = vector.broadcast %mul3A_447 : f32 to vector<16xf32>
    %mul3A_449 = arith.mulf %mul3A_448, %get3A_429 : vector<16xf32>
    %mul3A_450 = arith.mulf %mul3A_449, %mul3A_446 : vector<16xf32>
    %mul3A_451 = arith.mulf %mul3A_450, %mul3A_446 : vector<16xf32>
    %sub3A_452 = arith.constant 1.500000e+00 : f32
    %sub3A_453 = vector.broadcast %sub3A_452 : f32 to vector<16xf32>
    %sub3A_454 = arith.subf %sub3A_453, %mul3A_451 : vector<16xf32>
    %mul3A_455 = arith.mulf %mul3A_446, %sub3A_454 : vector<16xf32>
    %mul3A_456 = arith.constant 5.000000e-01 : f32
    %mul3A_457 = vector.broadcast %mul3A_456 : f32 to vector<16xf32>
    %mul3A_458 = arith.mulf %mul3A_457, %get3A_429 : vector<16xf32>
    %mul3A_459 = arith.mulf %mul3A_458, %mul3A_455 : vector<16xf32>
    %mul3A_460 = arith.mulf %mul3A_459, %mul3A_455 : vector<16xf32>
    %sub3A_461 = arith.constant 1.500000e+00 : f32
    %sub3A_462 = vector.broadcast %sub3A_461 : f32 to vector<16xf32>
    %sub3A_463 = arith.subf %sub3A_462, %mul3A_460 : vector<16xf32>
    %mul3A_464 = arith.mulf %mul3A_455, %sub3A_463 : vector<16xf32>
    %mul3A_465 = arith.constant 5.000000e-01 : f32
    %mul3A_466 = vector.broadcast %mul3A_465 : f32 to vector<16xf32>
    %mul3A_467 = arith.mulf %mul3A_466, %get3A_429 : vector<16xf32>
    %mul3A_468 = arith.mulf %mul3A_467, %mul3A_464 : vector<16xf32>
    %mul3A_469 = arith.mulf %mul3A_468, %mul3A_464 : vector<16xf32>
    %sub3A_470 = arith.constant 1.500000e+00 : f32
    %sub3A_471 = vector.broadcast %sub3A_470 : f32 to vector<16xf32>
    %sub3A_472 = arith.subf %sub3A_471, %mul3A_469 : vector<16xf32>
    %mul3A_473 = arith.mulf %mul3A_464, %sub3A_472 : vector<16xf32>
    %mul3A_474 = arith.mulf %get3A_429, %mul3A_473 : vector<16xf32>
    %add3A_475 = arith.addf %add3A_427, %mul3A_474 : vector<16xf32>
    %div3A_476 = arith.constant 3.000000e+00 : f32
    %div3A_477 = vector.broadcast %div3A_476 : f32 to vector<16xf32>
    %div3A_478 = arith.divf %add3A_475, %div3A_477 : vector<16xf32>
    %max3A_479 = arith.constant 9.99999974E-6 : f32
    %max3A_480 = vector.broadcast %max3A_479 : f32 to vector<16xf32>
    %max3A_481 = arith.maximumf %div3A_478, %max3A_480 : vector<16xf32>
    %get3A_482 = arith.constant 32 : index
    %get3A_483 = tpu.vector_load %arg17[%get3A_482] {strides = array<i32>} : memref<128xf32, #tpu.memory_space<vmem>>, vector<16xf32>,
    %mul3A_484 = arith.mulf %max3A_481, %get3A_483 : vector<16xf32>
    %swap3A_485 = arith.constant 32 : index
    %swap3A_486 = tpu.vector_load %arg20[%swap3A_485] {strides = array<i32>} : memref<128xf32, #tpu.memory_space<vmem>>, vector<16xf32>,
    tpu.vector_store %arg20[%swap3A_485], %mul3A_484 {strides = array<i32>} : memref<128xf32, #tpu.memory_space<vmem>>, vector<16xf32>,
    %get3A_487 = arith.constant 32 : index
    %get3A_488 = tpu.vector_load %arg18[%get3A_487] {strides = array<i32>} : memref<128xf32, #tpu.memory_space<vmem>>, vector<16xf32>,
    %mul3A_489 = arith.mulf %max3A_481, %get3A_488 : vector<16xf32>
    %swap3A_490 = arith.constant 32 : index
    %swap3A_491 = tpu.vector_load %arg21[%swap3A_490] {strides = array<i32>} : memref<128xf32, #tpu.memory_space<vmem>>, vector<16xf32>,
    tpu.vector_store %arg21[%swap3A_490], %mul3A_489 {strides = array<i32>} : memref<128xf32, #tpu.memory_space<vmem>>, vector<16xf32>,
    %get3A_492 = arith.constant 32 : index
    %get3A_493 = tpu.vector_load %arg19[%get3A_492] {strides = array<i32>} : memref<128xf32, #tpu.memory_space<vmem>>, vector<16xf32>,
    %mul3A_494 = arith.mulf %max3A_481, %get3A_493 : vector<16xf32>
    %swap3A_495 = arith.constant 32 : index
    %swap3A_496 = tpu.vector_load %arg22[%swap3A_495] {strides = array<i32>} : memref<128xf32, #tpu.memory_space<vmem>>, vector<16xf32>,
    tpu.vector_store %arg22[%swap3A_495], %mul3A_494 {strides = array<i32>} : memref<128xf32, #tpu.memory_space<vmem>>, vector<16xf32>,
    %get3A_497 = arith.constant 48 : index
    %get3A_498 = tpu.vector_load %arg14[%get3A_497] {strides = array<i32>} : memref<128xf32, #tpu.memory_space<vmem>>, vector<16xf32>,
    %bitcast3A_499 = vector.bitcast %get3A_498 : vector<16xf32> to vector<16xi32>
    %shift_right_arithmetic3A_500 = arith.constant 1 : i32
    %shift_right_arithmetic3A_501 = vector.broadcast %shift_right_arithmetic3A_500 : i32 to vector<16xi32>
    %shift_right_arithmetic3A_502 = arith.shrsi %bitcast3A_499, %shift_right_arithmetic3A_501 : vector<16xi32>
    %sub3A_503 = arith.constant 1597463007 : i32
    %sub3A_504 = vector.broadcast %sub3A_503 : i32 to vector<16xi32>
    %sub3A_505 = arith.subi %sub3A_504, %shift_right_arithmetic3A_502 : vector<16xi32>
    %bitcast3A_506 = vector.bitcast %sub3A_505 : vector<16xi32> to vector<16xf32>
    %mul3A_507 = arith.constant 5.000000e-01 : f32
    %mul3A_508 = vector.broadcast %mul3A_507 : f32 to vector<16xf32>
    %mul3A_509 = arith.mulf %mul3A_508, %get3A_498 : vector<16xf32>
    %mul3A_510 = arith.mulf %mul3A_509, %bitcast3A_506 : vector<16xf32>
    %mul3A_511 = arith.mulf %mul3A_510, %bitcast3A_506 : vector<16xf32>
    %sub3A_512 = arith.constant 1.500000e+00 : f32
    %sub3A_513 = vector.broadcast %sub3A_512 : f32 to vector<16xf32>
    %sub3A_514 = arith.subf %sub3A_513, %mul3A_511 : vector<16xf32>
    %mul3A_515 = arith.mulf %bitcast3A_506, %sub3A_514 : vector<16xf32>
    %mul3A_516 = arith.constant 5.000000e-01 : f32
    %mul3A_517 = vector.broadcast %mul3A_516 : f32 to vector<16xf32>
    %mul3A_518 = arith.mulf %mul3A_517, %get3A_498 : vector<16xf32>
    %mul3A_519 = arith.mulf %mul3A_518, %mul3A_515 : vector<16xf32>
    %mul3A_520 = arith.mulf %mul3A_519, %mul3A_515 : vector<16xf32>
    %sub3A_521 = arith.constant 1.500000e+00 : f32
    %sub3A_522 = vector.broadcast %sub3A_521 : f32 to vector<16xf32>
    %sub3A_523 = arith.subf %sub3A_522, %mul3A_520 : vector<16xf32>
    %mul3A_524 = arith.mulf %mul3A_515, %sub3A_523 : vector<16xf32>
    %mul3A_525 = arith.constant 5.000000e-01 : f32
    %mul3A_526 = vector.broadcast %mul3A_525 : f32 to vector<16xf32>
    %mul3A_527 = arith.mulf %mul3A_526, %get3A_498 : vector<16xf32>
    %mul3A_528 = arith.mulf %mul3A_527, %mul3A_524 : vector<16xf32>
    %mul3A_529 = arith.mulf %mul3A_528, %mul3A_524 : vector<16xf32>
    %sub3A_530 = arith.constant 1.500000e+00 : f32
    %sub3A_531 = vector.broadcast %sub3A_530 : f32 to vector<16xf32>
    %sub3A_532 = arith.subf %sub3A_531, %mul3A_529 : vector<16xf32>
    %mul3A_533 = arith.mulf %mul3A_524, %sub3A_532 : vector<16xf32>
    %mul3A_534 = arith.constant 5.000000e-01 : f32
    %mul3A_535 = vector.broadcast %mul3A_534 : f32 to vector<16xf32>
    %mul3A_536 = arith.mulf %mul3A_535, %get3A_498 : vector<16xf32>
    %mul3A_537 = arith.mulf %mul3A_536, %mul3A_533 : vector<16xf32>
    %mul3A_538 = arith.mulf %mul3A_537, %mul3A_533 : vector<16xf32>
    %sub3A_539 = arith.constant 1.500000e+00 : f32
    %sub3A_540 = vector.broadcast %sub3A_539 : f32 to vector<16xf32>
    %sub3A_541 = arith.subf %sub3A_540, %mul3A_538 : vector<16xf32>
    %mul3A_542 = arith.mulf %mul3A_533, %sub3A_541 : vector<16xf32>
    %mul3A_543 = arith.mulf %get3A_498, %mul3A_542 : vector<16xf32>
    %get3A_544 = arith.constant 48 : index
    %get3A_545 = tpu.vector_load %arg15[%get3A_544] {strides = array<i32>} : memref<128xf32, #tpu.memory_space<vmem>>, vector<16xf32>,
    %bitcast3A_546 = vector.bitcast %get3A_545 : vector<16xf32> to vector<16xi32>
    %shift_right_arithmetic3A_547 = arith.constant 1 : i32
    %shift_right_arithmetic3A_548 = vector.broadcast %shift_right_arithmetic3A_547 : i32 to vector<16xi32>
    %shift_right_arithmetic3A_549 = arith.shrsi %bitcast3A_546, %shift_right_arithmetic3A_548 : vector<16xi32>
    %sub3A_550 = arith.constant 1597463007 : i32
    %sub3A_551 = vector.broadcast %sub3A_550 : i32 to vector<16xi32>
    %sub3A_552 = arith.subi %sub3A_551, %shift_right_arithmetic3A_549 : vector<16xi32>
    %bitcast3A_553 = vector.bitcast %sub3A_552 : vector<16xi32> to vector<16xf32>
    %mul3A_554 = arith.constant 5.000000e-01 : f32
    %mul3A_555 = vector.broadcast %mul3A_554 : f32 to vector<16xf32>
    %mul3A_556 = arith.mulf %mul3A_555, %get3A_545 : vector<16xf32>
    %mul3A_557 = arith.mulf %mul3A_556, %bitcast3A_553 : vector<16xf32>
    %mul3A_558 = arith.mulf %mul3A_557, %bitcast3A_553 : vector<16xf32>
    %sub3A_559 = arith.constant 1.500000e+00 : f32
    %sub3A_560 = vector.broadcast %sub3A_559 : f32 to vector<16xf32>
    %sub3A_561 = arith.subf %sub3A_560, %mul3A_558 : vector<16xf32>
    %mul3A_562 = arith.mulf %bitcast3A_553, %sub3A_561 : vector<16xf32>
    %mul3A_563 = arith.constant 5.000000e-01 : f32
    %mul3A_564 = vector.broadcast %mul3A_563 : f32 to vector<16xf32>
    %mul3A_565 = arith.mulf %mul3A_564, %get3A_545 : vector<16xf32>
    %mul3A_566 = arith.mulf %mul3A_565, %mul3A_562 : vector<16xf32>
    %mul3A_567 = arith.mulf %mul3A_566, %mul3A_562 : vector<16xf32>
    %sub3A_568 = arith.constant 1.500000e+00 : f32
    %sub3A_569 = vector.broadcast %sub3A_568 : f32 to vector<16xf32>
    %sub3A_570 = arith.subf %sub3A_569, %mul3A_567 : vector<16xf32>
    %mul3A_571 = arith.mulf %mul3A_562, %sub3A_570 : vector<16xf32>
    %mul3A_572 = arith.constant 5.000000e-01 : f32
    %mul3A_573 = vector.broadcast %mul3A_572 : f32 to vector<16xf32>
    %mul3A_574 = arith.mulf %mul3A_573, %get3A_545 : vector<16xf32>
    %mul3A_575 = arith.mulf %mul3A_574, %mul3A_571 : vector<16xf32>
    %mul3A_576 = arith.mulf %mul3A_575, %mul3A_571 : vector<16xf32>
    %sub3A_577 = arith.constant 1.500000e+00 : f32
    %sub3A_578 = vector.broadcast %sub3A_577 : f32 to vector<16xf32>
    %sub3A_579 = arith.subf %sub3A_578, %mul3A_576 : vector<16xf32>
    %mul3A_580 = arith.mulf %mul3A_571, %sub3A_579 : vector<16xf32>
    %mul3A_581 = arith.constant 5.000000e-01 : f32
    %mul3A_582 = vector.broadcast %mul3A_581 : f32 to vector<16xf32>
    %mul3A_583 = arith.mulf %mul3A_582, %get3A_545 : vector<16xf32>
    %mul3A_584 = arith.mulf %mul3A_583, %mul3A_580 : vector<16xf32>
    %mul3A_585 = arith.mulf %mul3A_584, %mul3A_580 : vector<16xf32>
    %sub3A_586 = arith.constant 1.500000e+00 : f32
    %sub3A_587 = vector.broadcast %sub3A_586 : f32 to vector<16xf32>
    %sub3A_588 = arith.subf %sub3A_587, %mul3A_585 : vector<16xf32>
    %mul3A_589 = arith.mulf %mul3A_580, %sub3A_588 : vector<16xf32>
    %mul3A_590 = arith.mulf %get3A_545, %mul3A_589 : vector<16xf32>
    %add3A_591 = arith.addf %mul3A_543, %mul3A_590 : vector<16xf32>
    %get3A_592 = arith.constant 48 : index
    %get3A_593 = tpu.vector_load %arg16[%get3A_592] {strides = array<i32>} : memref<128xf32, #tpu.memory_space<vmem>>, vector<16xf32>,
    %bitcast3A_594 = vector.bitcast %get3A_593 : vector<16xf32> to vector<16xi32>
    %shift_right_arithmetic3A_595 = arith.constant 1 : i32
    %shift_right_arithmetic3A_596 = vector.broadcast %shift_right_arithmetic3A_595 : i32 to vector<16xi32>
    %shift_right_arithmetic3A_597 = arith.shrsi %bitcast3A_594, %shift_right_arithmetic3A_596 : vector<16xi32>
    %sub3A_598 = arith.constant 1597463007 : i32
    %sub3A_599 = vector.broadcast %sub3A_598 : i32 to vector<16xi32>
    %sub3A_600 = arith.subi %sub3A_599, %shift_right_arithmetic3A_597 : vector<16xi32>
    %bitcast3A_601 = vector.bitcast %sub3A_600 : vector<16xi32> to vector<16xf32>
    %mul3A_602 = arith.constant 5.000000e-01 : f32
    %mul3A_603 = vector.broadcast %mul3A_602 : f32 to vector<16xf32>
    %mul3A_604 = arith.mulf %mul3A_603, %get3A_593 : vector<16xf32>
    %mul3A_605 = arith.mulf %mul3A_604, %bitcast3A_601 : vector<16xf32>
    %mul3A_606 = arith.mulf %mul3A_605, %bitcast3A_601 : vector<16xf32>
    %sub3A_607 = arith.constant 1.500000e+00 : f32
    %sub3A_608 = vector.broadcast %sub3A_607 : f32 to vector<16xf32>
    %sub3A_609 = arith.subf %sub3A_608, %mul3A_606 : vector<16xf32>
    %mul3A_610 = arith.mulf %bitcast3A_601, %sub3A_609 : vector<16xf32>
    %mul3A_611 = arith.constant 5.000000e-01 : f32
    %mul3A_612 = vector.broadcast %mul3A_611 : f32 to vector<16xf32>
    %mul3A_613 = arith.mulf %mul3A_612, %get3A_593 : vector<16xf32>
    %mul3A_614 = arith.mulf %mul3A_613, %mul3A_610 : vector<16xf32>
    %mul3A_615 = arith.mulf %mul3A_614, %mul3A_610 : vector<16xf32>
    %sub3A_616 = arith.constant 1.500000e+00 : f32
    %sub3A_617 = vector.broadcast %sub3A_616 : f32 to vector<16xf32>
    %sub3A_618 = arith.subf %sub3A_617, %mul3A_615 : vector<16xf32>
    %mul3A_619 = arith.mulf %mul3A_610, %sub3A_618 : vector<16xf32>
    %mul3A_620 = arith.constant 5.000000e-01 : f32
    %mul3A_621 = vector.broadcast %mul3A_620 : f32 to vector<16xf32>
    %mul3A_622 = arith.mulf %mul3A_621, %get3A_593 : vector<16xf32>
    %mul3A_623 = arith.mulf %mul3A_622, %mul3A_619 : vector<16xf32>
    %mul3A_624 = arith.mulf %mul3A_623, %mul3A_619 : vector<16xf32>
    %sub3A_625 = arith.constant 1.500000e+00 : f32
    %sub3A_626 = vector.broadcast %sub3A_625 : f32 to vector<16xf32>
    %sub3A_627 = arith.subf %sub3A_626, %mul3A_624 : vector<16xf32>
    %mul3A_628 = arith.mulf %mul3A_619, %sub3A_627 : vector<16xf32>
    %mul3A_629 = arith.constant 5.000000e-01 : f32
    %mul3A_630 = vector.broadcast %mul3A_629 : f32 to vector<16xf32>
    %mul3A_631 = arith.mulf %mul3A_630, %get3A_593 : vector<16xf32>
    %mul3A_632 = arith.mulf %mul3A_631, %mul3A_628 : vector<16xf32>
    %mul3A_633 = arith.mulf %mul3A_632, %mul3A_628 : vector<16xf32>
    %sub3A_634 = arith.constant 1.500000e+00 : f32
    %sub3A_635 = vector.broadcast %sub3A_634 : f32 to vector<16xf32>
    %sub3A_636 = arith.subf %sub3A_635, %mul3A_633 : vector<16xf32>
    %mul3A_637 = arith.mulf %mul3A_628, %sub3A_636 : vector<16xf32>
    %mul3A_638 = arith.mulf %get3A_593, %mul3A_637 : vector<16xf32>
    %add3A_639 = arith.addf %add3A_591, %mul3A_638 : vector<16xf32>
    %div3A_640 = arith.constant 3.000000e+00 : f32
    %div3A_641 = vector.broadcast %div3A_640 : f32 to vector<16xf32>
    %div3A_642 = arith.divf %add3A_639, %div3A_641 : vector<16xf32>
    %max3A_643 = arith.constant 9.99999974E-6 : f32
    %max3A_644 = vector.broadcast %max3A_643 : f32 to vector<16xf32>
    %max3A_645 = arith.maximumf %div3A_642, %max3A_644 : vector<16xf32>
    %get3A_646 = arith.constant 48 : index
    %get3A_647 = tpu.vector_load %arg17[%get3A_646] {strides = array<i32>} : memref<128xf32, #tpu.memory_space<vmem>>, vector<16xf32>,
    %mul3A_648 = arith.mulf %max3A_645, %get3A_647 : vector<16xf32>
    %swap3A_649 = arith.constant 48 : index
    %swap3A_650 = tpu.vector_load %arg20[%swap3A_649] {strides = array<i32>} : memref<128xf32, #tpu.memory_space<vmem>>, vector<16xf32>,
    tpu.vector_store %arg20[%swap3A_649], %mul3A_648 {strides = array<i32>} : memref<128xf32, #tpu.memory_space<vmem>>, vector<16xf32>,
    %get3A_651 = arith.constant 48 : index
    %get3A_652 = tpu.vector_load %arg18[%get3A_651] {strides = array<i32>} : memref<128xf32, #tpu.memory_space<vmem>>, vector<16xf32>,
    %mul3A_653 = arith.mulf %max3A_645, %get3A_652 : vector<16xf32>
    %swap3A_654 = arith.constant 48 : index
    %swap3A_655 = tpu.vector_load %arg21[%swap3A_654] {strides = array<i32>} : memref<128xf32, #tpu.memory_space<vmem>>, vector<16xf32>,
    tpu.vector_store %arg21[%swap3A_654], %mul3A_653 {strides = array<i32>} : memref<128xf32, #tpu.memory_space<vmem>>, vector<16xf32>,
    %get3A_656 = arith.constant 48 : index
    %get3A_657 = tpu.vector_load %arg19[%get3A_656] {strides = array<i32>} : memref<128xf32, #tpu.memory_space<vmem>>, vector<16xf32>,
    %mul3A_658 = arith.mulf %max3A_645, %get3A_657 : vector<16xf32>
    %swap3A_659 = arith.constant 48 : index
    %swap3A_660 = tpu.vector_load %arg22[%swap3A_659] {strides = array<i32>} : memref<128xf32, #tpu.memory_space<vmem>>, vector<16xf32>,
    tpu.vector_store %arg22[%swap3A_659], %mul3A_658 {strides = array<i32>} : memref<128xf32, #tpu.memory_space<vmem>>, vector<16xf32>,
    %get3A_661 = arith.constant 64 : index
    %get3A_662 = tpu.vector_load %arg14[%get3A_661] {strides = array<i32>} : memref<128xf32, #tpu.memory_space<vmem>>, vector<16xf32>,
    %bitcast3A_663 = vector.bitcast %get3A_662 : vector<16xf32> to vector<16xi32>
    %shift_right_arithmetic3A_664 = arith.constant 1 : i32
    %shift_right_arithmetic3A_665 = vector.broadcast %shift_right_arithmetic3A_664 : i32 to vector<16xi32>
    %shift_right_arithmetic3A_666 = arith.shrsi %bitcast3A_663, %shift_right_arithmetic3A_665 : vector<16xi32>
    %sub3A_667 = arith.constant 1597463007 : i32
    %sub3A_668 = vector.broadcast %sub3A_667 : i32 to vector<16xi32>
    %sub3A_669 = arith.subi %sub3A_668, %shift_right_arithmetic3A_666 : vector<16xi32>
    %bitcast3A_670 = vector.bitcast %sub3A_669 : vector<16xi32> to vector<16xf32>
    %mul3A_671 = arith.constant 5.000000e-01 : f32
    %mul3A_672 = vector.broadcast %mul3A_671 : f32 to vector<16xf32>
    %mul3A_673 = arith.mulf %mul3A_672, %get3A_662 : vector<16xf32>
    %mul3A_674 = arith.mulf %mul3A_673, %bitcast3A_670 : vector<16xf32>
    %mul3A_675 = arith.mulf %mul3A_674, %bitcast3A_670 : vector<16xf32>
    %sub3A_676 = arith.constant 1.500000e+00 : f32
    %sub3A_677 = vector.broadcast %sub3A_676 : f32 to vector<16xf32>
    %sub3A_678 = arith.subf %sub3A_677, %mul3A_675 : vector<16xf32>
    %mul3A_679 = arith.mulf %bitcast3A_670, %sub3A_678 : vector<16xf32>
    %mul3A_680 = arith.constant 5.000000e-01 : f32
    %mul3A_681 = vector.broadcast %mul3A_680 : f32 to vector<16xf32>
    %mul3A_682 = arith.mulf %mul3A_681, %get3A_662 : vector<16xf32>
    %mul3A_683 = arith.mulf %mul3A_682, %mul3A_679 : vector<16xf32>
    %mul3A_684 = arith.mulf %mul3A_683, %mul3A_679 : vector<16xf32>
    %sub3A_685 = arith.constant 1.500000e+00 : f32
    %sub3A_686 = vector.broadcast %sub3A_685 : f32 to vector<16xf32>
    %sub3A_687 = arith.subf %sub3A_686, %mul3A_684 : vector<16xf32>
    %mul3A_688 = arith.mulf %mul3A_679, %sub3A_687 : vector<16xf32>
    %mul3A_689 = arith.constant 5.000000e-01 : f32
    %mul3A_690 = vector.broadcast %mul3A_689 : f32 to vector<16xf32>
    %mul3A_691 = arith.mulf %mul3A_690, %get3A_662 : vector<16xf32>
    %mul3A_692 = arith.mulf %mul3A_691, %mul3A_688 : vector<16xf32>
    %mul3A_693 = arith.mulf %mul3A_692, %mul3A_688 : vector<16xf32>
    %sub3A_694 = arith.constant 1.500000e+00 : f32
    %sub3A_695 = vector.broadcast %sub3A_694 : f32 to vector<16xf32>
    %sub3A_696 = arith.subf %sub3A_695, %mul3A_693 : vector<16xf32>
    %mul3A_697 = arith.mulf %mul3A_688, %sub3A_696 : vector<16xf32>
    %mul3A_698 = arith.constant 5.000000e-01 : f32
    %mul3A_699 = vector.broadcast %mul3A_698 : f32 to vector<16xf32>
    %mul3A_700 = arith.mulf %mul3A_699, %get3A_662 : vector<16xf32>
    %mul3A_701 = arith.mulf %mul3A_700, %mul3A_697 : vector<16xf32>
    %mul3A_702 = arith.mulf %mul3A_701, %mul3A_697 : vector<16xf32>
    %sub3A_703 = arith.constant 1.500000e+00 : f32
    %sub3A_704 = vector.broadcast %sub3A_703 : f32 to vector<16xf32>
    %sub3A_705 = arith.subf %sub3A_704, %mul3A_702 : vector<16xf32>
    %mul3A_706 = arith.mulf %mul3A_697, %sub3A_705 : vector<16xf32>
    %mul3A_707 = arith.mulf %get3A_662, %mul3A_706 : vector<16xf32>
    %get3A_708 = arith.constant 64 : index
    %get3A_709 = tpu.vector_load %arg15[%get3A_708] {strides = array<i32>} : memref<128xf32, #tpu.memory_space<vmem>>, vector<16xf32>,
    %bitcast3A_710 = vector.bitcast %get3A_709 : vector<16xf32> to vector<16xi32>
    %shift_right_arithmetic3A_711 = arith.constant 1 : i32
    %shift_right_arithmetic3A_712 = vector.broadcast %shift_right_arithmetic3A_711 : i32 to vector<16xi32>
    %shift_right_arithmetic3A_713 = arith.shrsi %bitcast3A_710, %shift_right_arithmetic3A_712 : vector<16xi32>
    %sub3A_714 = arith.constant 1597463007 : i32
    %sub3A_715 = vector.broadcast %sub3A_714 : i32 to vector<16xi32>
    %sub3A_716 = arith.subi %sub3A_715, %shift_right_arithmetic3A_713 : vector<16xi32>
    %bitcast3A_717 = vector.bitcast %sub3A_716 : vector<16xi32> to vector<16xf32>
    %mul3A_718 = arith.constant 5.000000e-01 : f32
    %mul3A_719 = vector.broadcast %mul3A_718 : f32 to vector<16xf32>
    %mul3A_720 = arith.mulf %mul3A_719, %get3A_709 : vector<16xf32>
    %mul3A_721 = arith.mulf %mul3A_720, %bitcast3A_717 : vector<16xf32>
    %mul3A_722 = arith.mulf %mul3A_721, %bitcast3A_717 : vector<16xf32>
    %sub3A_723 = arith.constant 1.500000e+00 : f32
    %sub3A_724 = vector.broadcast %sub3A_723 : f32 to vector<16xf32>
    %sub3A_725 = arith.subf %sub3A_724, %mul3A_722 : vector<16xf32>
    %mul3A_726 = arith.mulf %bitcast3A_717, %sub3A_725 : vector<16xf32>
    %mul3A_727 = arith.constant 5.000000e-01 : f32
    %mul3A_728 = vector.broadcast %mul3A_727 : f32 to vector<16xf32>
    %mul3A_729 = arith.mulf %mul3A_728, %get3A_709 : vector<16xf32>
    %mul3A_730 = arith.mulf %mul3A_729, %mul3A_726 : vector<16xf32>
    %mul3A_731 = arith.mulf %mul3A_730, %mul3A_726 : vector<16xf32>
    %sub3A_732 = arith.constant 1.500000e+00 : f32
    %sub3A_733 = vector.broadcast %sub3A_732 : f32 to vector<16xf32>
    %sub3A_734 = arith.subf %sub3A_733, %mul3A_731 : vector<16xf32>
    %mul3A_735 = arith.mulf %mul3A_726, %sub3A_734 : vector<16xf32>
    %mul3A_736 = arith.constant 5.000000e-01 : f32
    %mul3A_737 = vector.broadcast %mul3A_736 : f32 to vector<16xf32>
    %mul3A_738 = arith.mulf %mul3A_737, %get3A_709 : vector<16xf32>
    %mul3A_739 = arith.mulf %mul3A_738, %mul3A_735 : vector<16xf32>
    %mul3A_740 = arith.mulf %mul3A_739, %mul3A_735 : vector<16xf32>
    %sub3A_741 = arith.constant 1.500000e+00 : f32
    %sub3A_742 = vector.broadcast %sub3A_741 : f32 to vector<16xf32>
    %sub3A_743 = arith.subf %sub3A_742, %mul3A_740 : vector<16xf32>
    %mul3A_744 = arith.mulf %mul3A_735, %sub3A_743 : vector<16xf32>
    %mul3A_745 = arith.constant 5.000000e-01 : f32
    %mul3A_746 = vector.broadcast %mul3A_745 : f32 to vector<16xf32>
    %mul3A_747 = arith.mulf %mul3A_746, %get3A_709 : vector<16xf32>
    %mul3A_748 = arith.mulf %mul3A_747, %mul3A_744 : vector<16xf32>
    %mul3A_749 = arith.mulf %mul3A_748, %mul3A_744 : vector<16xf32>
    %sub3A_750 = arith.constant 1.500000e+00 : f32
    %sub3A_751 = vector.broadcast %sub3A_750 : f32 to vector<16xf32>
    %sub3A_752 = arith.subf %sub3A_751, %mul3A_749 : vector<16xf32>
    %mul3A_753 = arith.mulf %mul3A_744, %sub3A_752 : vector<16xf32>
    %mul3A_754 = arith.mulf %get3A_709, %mul3A_753 : vector<16xf32>
    %add3A_755 = arith.addf %mul3A_707, %mul3A_754 : vector<16xf32>
    %get3A_756 = arith.constant 64 : index
    %get3A_757 = tpu.vector_load %arg16[%get3A_756] {strides = array<i32>} : memref<128xf32, #tpu.memory_space<vmem>>, vector<16xf32>,
    %bitcast3A_758 = vector.bitcast %get3A_757 : vector<16xf32> to vector<16xi32>
    %shift_right_arithmetic3A_759 = arith.constant 1 : i32
    %shift_right_arithmetic3A_760 = vector.broadcast %shift_right_arithmetic3A_759 : i32 to vector<16xi32>
    %shift_right_arithmetic3A_761 = arith.shrsi %bitcast3A_758, %shift_right_arithmetic3A_760 : vector<16xi32>
    %sub3A_762 = arith.constant 1597463007 : i32
    %sub3A_763 = vector.broadcast %sub3A_762 : i32 to vector<16xi32>
    %sub3A_764 = arith.subi %sub3A_763, %shift_right_arithmetic3A_761 : vector<16xi32>
    %bitcast3A_765 = vector.bitcast %sub3A_764 : vector<16xi32> to vector<16xf32>
    %mul3A_766 = arith.constant 5.000000e-01 : f32
    %mul3A_767 = vector.broadcast %mul3A_766 : f32 to vector<16xf32>
    %mul3A_768 = arith.mulf %mul3A_767, %get3A_757 : vector<16xf32>
    %mul3A_769 = arith.mulf %mul3A_768, %bitcast3A_765 : vector<16xf32>
    %mul3A_770 = arith.mulf %mul3A_769, %bitcast3A_765 : vector<16xf32>
    %sub3A_771 = arith.constant 1.500000e+00 : f32
    %sub3A_772 = vector.broadcast %sub3A_771 : f32 to vector<16xf32>
    %sub3A_773 = arith.subf %sub3A_772, %mul3A_770 : vector<16xf32>
    %mul3A_774 = arith.mulf %bitcast3A_765, %sub3A_773 : vector<16xf32>
    %mul3A_775 = arith.constant 5.000000e-01 : f32
    %mul3A_776 = vector.broadcast %mul3A_775 : f32 to vector<16xf32>
    %mul3A_777 = arith.mulf %mul3A_776, %get3A_757 : vector<16xf32>
    %mul3A_778 = arith.mulf %mul3A_777, %mul3A_774 : vector<16xf32>
    %mul3A_779 = arith.mulf %mul3A_778, %mul3A_774 : vector<16xf32>
    %sub3A_780 = arith.constant 1.500000e+00 : f32
    %sub3A_781 = vector.broadcast %sub3A_780 : f32 to vector<16xf32>
    %sub3A_782 = arith.subf %sub3A_781, %mul3A_779 : vector<16xf32>
    %mul3A_783 = arith.mulf %mul3A_774, %sub3A_782 : vector<16xf32>
    %mul3A_784 = arith.constant 5.000000e-01 : f32
    %mul3A_785 = vector.broadcast %mul3A_784 : f32 to vector<16xf32>
    %mul3A_786 = arith.mulf %mul3A_785, %get3A_757 : vector<16xf32>
    %mul3A_787 = arith.mulf %mul3A_786, %mul3A_783 : vector<16xf32>
    %mul3A_788 = arith.mulf %mul3A_787, %mul3A_783 : vector<16xf32>
    %sub3A_789 = arith.constant 1.500000e+00 : f32
    %sub3A_790 = vector.broadcast %sub3A_789 : f32 to vector<16xf32>
    %sub3A_791 = arith.subf %sub3A_790, %mul3A_788 : vector<16xf32>
    %mul3A_792 = arith.mulf %mul3A_783, %sub3A_791 : vector<16xf32>
    %mul3A_793 = arith.constant 5.000000e-01 : f32
    %mul3A_794 = vector.broadcast %mul3A_793 : f32 to vector<16xf32>
    %mul3A_795 = arith.mulf %mul3A_794, %get3A_757 : vector<16xf32>
    %mul3A_796 = arith.mulf %mul3A_795, %mul3A_792 : vector<16xf32>
    %mul3A_797 = arith.mulf %mul3A_796, %mul3A_792 : vector<16xf32>
    %sub3A_798 = arith.constant 1.500000e+00 : f32
    %sub3A_799 = vector.broadcast %sub3A_798 : f32 to vector<16xf32>
    %sub3A_800 = arith.subf %sub3A_799, %mul3A_797 : vector<16xf32>
    %mul3A_801 = arith.mulf %mul3A_792, %sub3A_800 : vector<16xf32>
    %mul3A_802 = arith.mulf %get3A_757, %mul3A_801 : vector<16xf32>
    %add3A_803 = arith.addf %add3A_755, %mul3A_802 : vector<16xf32>
    %div3A_804 = arith.constant 3.000000e+00 : f32
    %div3A_805 = vector.broadcast %div3A_804 : f32 to vector<16xf32>
    %div3A_806 = arith.divf %add3A_803, %div3A_805 : vector<16xf32>
    %max3A_807 = arith.constant 9.99999974E-6 : f32
    %max3A_808 = vector.broadcast %max3A_807 : f32 to vector<16xf32>
    %max3A_809 = arith.maximumf %div3A_806, %max3A_808 : vector<16xf32>
    %get3A_810 = arith.constant 64 : index
    %get3A_811 = tpu.vector_load %arg17[%get3A_810] {strides = array<i32>} : memref<128xf32, #tpu.memory_space<vmem>>, vector<16xf32>,
    %mul3A_812 = arith.mulf %max3A_809, %get3A_811 : vector<16xf32>
    %swap3A_813 = arith.constant 64 : index
    %swap3A_814 = tpu.vector_load %arg20[%swap3A_813] {strides = array<i32>} : memref<128xf32, #tpu.memory_space<vmem>>, vector<16xf32>,
    tpu.vector_store %arg20[%swap3A_813], %mul3A_812 {strides = array<i32>} : memref<128xf32, #tpu.memory_space<vmem>>, vector<16xf32>,
    %get3A_815 = arith.constant 64 : index
    %get3A_816 = tpu.vector_load %arg18[%get3A_815] {strides = array<i32>} : memref<128xf32, #tpu.memory_space<vmem>>, vector<16xf32>,
    %mul3A_817 = arith.mulf %max3A_809, %get3A_816 : vector<16xf32>
    %swap3A_818 = arith.constant 64 : index
    %swap3A_819 = tpu.vector_load %arg21[%swap3A_818] {strides = array<i32>} : memref<128xf32, #tpu.memory_space<vmem>>, vector<16xf32>,
    tpu.vector_store %arg21[%swap3A_818], %mul3A_817 {strides = array<i32>} : memref<128xf32, #tpu.memory_space<vmem>>, vector<16xf32>,
    %get3A_820 = arith.constant 64 : index
    %get3A_821 = tpu.vector_load %arg19[%get3A_820] {strides = array<i32>} : memref<128xf32, #tpu.memory_space<vmem>>, vector<16xf32>,
    %mul3A_822 = arith.mulf %max3A_809, %get3A_821 : vector<16xf32>
    %swap3A_823 = arith.constant 64 : index
    %swap3A_824 = tpu.vector_load %arg22[%swap3A_823] {strides = array<i32>} : memref<128xf32, #tpu.memory_space<vmem>>, vector<16xf32>,
    tpu.vector_store %arg22[%swap3A_823], %mul3A_822 {strides = array<i32>} : memref<128xf32, #tpu.memory_space<vmem>>, vector<16xf32>,
    %get3A_825 = arith.constant 80 : index
    %get3A_826 = tpu.vector_load %arg14[%get3A_825] {strides = array<i32>} : memref<128xf32, #tpu.memory_space<vmem>>, vector<16xf32>,
    %bitcast3A_827 = vector.bitcast %get3A_826 : vector<16xf32> to vector<16xi32>
    %shift_right_arithmetic3A_828 = arith.constant 1 : i32
    %shift_right_arithmetic3A_829 = vector.broadcast %shift_right_arithmetic3A_828 : i32 to vector<16xi32>
    %shift_right_arithmetic3A_830 = arith.shrsi %bitcast3A_827, %shift_right_arithmetic3A_829 : vector<16xi32>
    %sub3A_831 = arith.constant 1597463007 : i32
    %sub3A_832 = vector.broadcast %sub3A_831 : i32 to vector<16xi32>
    %sub3A_833 = arith.subi %sub3A_832, %shift_right_arithmetic3A_830 : vector<16xi32>
    %bitcast3A_834 = vector.bitcast %sub3A_833 : vector<16xi32> to vector<16xf32>
    %mul3A_835 = arith.constant 5.000000e-01 : f32
    %mul3A_836 = vector.broadcast %mul3A_835 : f32 to vector<16xf32>
    %mul3A_837 = arith.mulf %mul3A_836, %get3A_826 : vector<16xf32>
    %mul3A_838 = arith.mulf %mul3A_837, %bitcast3A_834 : vector<16xf32>
    %mul3A_839 = arith.mulf %mul3A_838, %bitcast3A_834 : vector<16xf32>
    %sub3A_840 = arith.constant 1.500000e+00 : f32
    %sub3A_841 = vector.broadcast %sub3A_840 : f32 to vector<16xf32>
    %sub3A_842 = arith.subf %sub3A_841, %mul3A_839 : vector<16xf32>
    %mul3A_843 = arith.mulf %bitcast3A_834, %sub3A_842 : vector<16xf32>
    %mul3A_844 = arith.constant 5.000000e-01 : f32
    %mul3A_845 = vector.broadcast %mul3A_844 : f32 to vector<16xf32>
    %mul3A_846 = arith.mulf %mul3A_845, %get3A_826 : vector<16xf32>
    %mul3A_847 = arith.mulf %mul3A_846, %mul3A_843 : vector<16xf32>
    %mul3A_848 = arith.mulf %mul3A_847, %mul3A_843 : vector<16xf32>
    %sub3A_849 = arith.constant 1.500000e+00 : f32
    %sub3A_850 = vector.broadcast %sub3A_849 : f32 to vector<16xf32>
    %sub3A_851 = arith.subf %sub3A_850, %mul3A_848 : vector<16xf32>
    %mul3A_852 = arith.mulf %mul3A_843, %sub3A_851 : vector<16xf32>
    %mul3A_853 = arith.constant 5.000000e-01 : f32
    %mul3A_854 = vector.broadcast %mul3A_853 : f32 to vector<16xf32>
    %mul3A_855 = arith.mulf %mul3A_854, %get3A_826 : vector<16xf32>
    %mul3A_856 = arith.mulf %mul3A_855, %mul3A_852 : vector<16xf32>
    %mul3A_857 = arith.mulf %mul3A_856, %mul3A_852 : vector<16xf32>
    %sub3A_858 = arith.constant 1.500000e+00 : f32
    %sub3A_859 = vector.broadcast %sub3A_858 : f32 to vector<16xf32>
    %sub3A_860 = arith.subf %sub3A_859, %mul3A_857 : vector<16xf32>
    %mul3A_861 = arith.mulf %mul3A_852, %sub3A_860 : vector<16xf32>
    %mul3A_862 = arith.constant 5.000000e-01 : f32
    %mul3A_863 = vector.broadcast %mul3A_862 : f32 to vector<16xf32>
    %mul3A_864 = arith.mulf %mul3A_863, %get3A_826 : vector<16xf32>
    %mul3A_865 = arith.mulf %mul3A_864, %mul3A_861 : vector<16xf32>
    %mul3A_866 = arith.mulf %mul3A_865, %mul3A_861 : vector<16xf32>
    %sub3A_867 = arith.constant 1.500000e+00 : f32
    %sub3A_868 = vector.broadcast %sub3A_867 : f32 to vector<16xf32>
    %sub3A_869 = arith.subf %sub3A_868, %mul3A_866 : vector<16xf32>
    %mul3A_870 = arith.mulf %mul3A_861, %sub3A_869 : vector<16xf32>
    %mul3A_871 = arith.mulf %get3A_826, %mul3A_870 : vector<16xf32>
    %get3A_872 = arith.constant 80 : index
    %get3A_873 = tpu.vector_load %arg15[%get3A_872] {strides = array<i32>} : memref<128xf32, #tpu.memory_space<vmem>>, vector<16xf32>,
    %bitcast3A_874 = vector.bitcast %get3A_873 : vector<16xf32> to vector<16xi32>
    %shift_right_arithmetic3A_875 = arith.constant 1 : i32
    %shift_right_arithmetic3A_876 = vector.broadcast %shift_right_arithmetic3A_875 : i32 to vector<16xi32>
    %shift_right_arithmetic3A_877 = arith.shrsi %bitcast3A_874, %shift_right_arithmetic3A_876 : vector<16xi32>
    %sub3A_878 = arith.constant 1597463007 : i32
    %sub3A_879 = vector.broadcast %sub3A_878 : i32 to vector<16xi32>
    %sub3A_880 = arith.subi %sub3A_879, %shift_right_arithmetic3A_877 : vector<16xi32>
    %bitcast3A_881 = vector.bitcast %sub3A_880 : vector<16xi32> to vector<16xf32>
    %mul3A_882 = arith.constant 5.000000e-01 : f32
    %mul3A_883 = vector.broadcast %mul3A_882 : f32 to vector<16xf32>
    %mul3A_884 = arith.mulf %mul3A_883, %get3A_873 : vector<16xf32>
    %mul3A_885 = arith.mulf %mul3A_884, %bitcast3A_881 : vector<16xf32>
    %mul3A_886 = arith.mulf %mul3A_885, %bitcast3A_881 : vector<16xf32>
    %sub3A_887 = arith.constant 1.500000e+00 : f32
    %sub3A_888 = vector.broadcast %sub3A_887 : f32 to vector<16xf32>
    %sub3A_889 = arith.subf %sub3A_888, %mul3A_886 : vector<16xf32>
    %mul3A_890 = arith.mulf %bitcast3A_881, %sub3A_889 : vector<16xf32>
    %mul3A_891 = arith.constant 5.000000e-01 : f32
    %mul3A_892 = vector.broadcast %mul3A_891 : f32 to vector<16xf32>
    %mul3A_893 = arith.mulf %mul3A_892, %get3A_873 : vector<16xf32>
    %mul3A_894 = arith.mulf %mul3A_893, %mul3A_890 : vector<16xf32>
    %mul3A_895 = arith.mulf %mul3A_894, %mul3A_890 : vector<16xf32>
    %sub3A_896 = arith.constant 1.500000e+00 : f32
    %sub3A_897 = vector.broadcast %sub3A_896 : f32 to vector<16xf32>
    %sub3A_898 = arith.subf %sub3A_897, %mul3A_895 : vector<16xf32>
    %mul3A_899 = arith.mulf %mul3A_890, %sub3A_898 : vector<16xf32>
    %mul3A_900 = arith.constant 5.000000e-01 : f32
    %mul3A_901 = vector.broadcast %mul3A_900 : f32 to vector<16xf32>
    %mul3A_902 = arith.mulf %mul3A_901, %get3A_873 : vector<16xf32>
    %mul3A_903 = arith.mulf %mul3A_902, %mul3A_899 : vector<16xf32>
    %mul3A_904 = arith.mulf %mul3A_903, %mul3A_899 : vector<16xf32>
    %sub3A_905 = arith.constant 1.500000e+00 : f32
    %sub3A_906 = vector.broadcast %sub3A_905 : f32 to vector<16xf32>
    %sub3A_907 = arith.subf %sub3A_906, %mul3A_904 : vector<16xf32>
    %mul3A_908 = arith.mulf %mul3A_899, %sub3A_907 : vector<16xf32>
    %mul3A_909 = arith.constant 5.000000e-01 : f32
    %mul3A_910 = vector.broadcast %mul3A_909 : f32 to vector<16xf32>
    %mul3A_911 = arith.mulf %mul3A_910, %get3A_873 : vector<16xf32>
    %mul3A_912 = arith.mulf %mul3A_911, %mul3A_908 : vector<16xf32>
    %mul3A_913 = arith.mulf %mul3A_912, %mul3A_908 : vector<16xf32>
    %sub3A_914 = arith.constant 1.500000e+00 : f32
    %sub3A_915 = vector.broadcast %sub3A_914 : f32 to vector<16xf32>
    %sub3A_916 = arith.subf %sub3A_915, %mul3A_913 : vector<16xf32>
    %mul3A_917 = arith.mulf %mul3A_908, %sub3A_916 : vector<16xf32>
    %mul3A_918 = arith.mulf %get3A_873, %mul3A_917 : vector<16xf32>
    %add3A_919 = arith.addf %mul3A_871, %mul3A_918 : vector<16xf32>
    %get3A_920 = arith.constant 80 : index
    %get3A_921 = tpu.vector_load %arg16[%get3A_920] {strides = array<i32>} : memref<128xf32, #tpu.memory_space<vmem>>, vector<16xf32>,
    %bitcast3A_922 = vector.bitcast %get3A_921 : vector<16xf32> to vector<16xi32>
    %shift_right_arithmetic3A_923 = arith.constant 1 : i32
    %shift_right_arithmetic3A_924 = vector.broadcast %shift_right_arithmetic3A_923 : i32 to vector<16xi32>
    %shift_right_arithmetic3A_925 = arith.shrsi %bitcast3A_922, %shift_right_arithmetic3A_924 : vector<16xi32>
    %sub3A_926 = arith.constant 1597463007 : i32
    %sub3A_927 = vector.broadcast %sub3A_926 : i32 to vector<16xi32>
    %sub3A_928 = arith.subi %sub3A_927, %shift_right_arithmetic3A_925 : vector<16xi32>
    %bitcast3A_929 = vector.bitcast %sub3A_928 : vector<16xi32> to vector<16xf32>
    %mul3A_930 = arith.constant 5.000000e-01 : f32
    %mul3A_931 = vector.broadcast %mul3A_930 : f32 to vector<16xf32>
    %mul3A_932 = arith.mulf %mul3A_931, %get3A_921 : vector<16xf32>
    %mul3A_933 = arith.mulf %mul3A_932, %bitcast3A_929 : vector<16xf32>
    %mul3A_934 = arith.mulf %mul3A_933, %bitcast3A_929 : vector<16xf32>
    %sub3A_935 = arith.constant 1.500000e+00 : f32
    %sub3A_936 = vector.broadcast %sub3A_935 : f32 to vector<16xf32>
    %sub3A_937 = arith.subf %sub3A_936, %mul3A_934 : vector<16xf32>
    %mul3A_938 = arith.mulf %bitcast3A_929, %sub3A_937 : vector<16xf32>
    %mul3A_939 = arith.constant 5.000000e-01 : f32
    %mul3A_940 = vector.broadcast %mul3A_939 : f32 to vector<16xf32>
    %mul3A_941 = arith.mulf %mul3A_940, %get3A_921 : vector<16xf32>
    %mul3A_942 = arith.mulf %mul3A_941, %mul3A_938 : vector<16xf32>
    %mul3A_943 = arith.mulf %mul3A_942, %mul3A_938 : vector<16xf32>
    %sub3A_944 = arith.constant 1.500000e+00 : f32
    %sub3A_945 = vector.broadcast %sub3A_944 : f32 to vector<16xf32>
    %sub3A_946 = arith.subf %sub3A_945, %mul3A_943 : vector<16xf32>
    %mul3A_947 = arith.mulf %mul3A_938, %sub3A_946 : vector<16xf32>
    %mul3A_948 = arith.constant 5.000000e-01 : f32
    %mul3A_949 = vector.broadcast %mul3A_948 : f32 to vector<16xf32>
    %mul3A_950 = arith.mulf %mul3A_949, %get3A_921 : vector<16xf32>
    %mul3A_951 = arith.mulf %mul3A_950, %mul3A_947 : vector<16xf32>
    %mul3A_952 = arith.mulf %mul3A_951, %mul3A_947 : vector<16xf32>
    %sub3A_953 = arith.constant 1.500000e+00 : f32
    %sub3A_954 = vector.broadcast %sub3A_953 : f32 to vector<16xf32>
    %sub3A_955 = arith.subf %sub3A_954, %mul3A_952 : vector<16xf32>
    %mul3A_956 = arith.mulf %mul3A_947, %sub3A_955 : vector<16xf32>
    %mul3A_957 = arith.constant 5.000000e-01 : f32
    %mul3A_958 = vector.broadcast %mul3A_957 : f32 to vector<16xf32>
    %mul3A_959 = arith.mulf %mul3A_958, %get3A_921 : vector<16xf32>
    %mul3A_960 = arith.mulf %mul3A_959, %mul3A_956 : vector<16xf32>
    %mul3A_961 = arith.mulf %mul3A_960, %mul3A_956 : vector<16xf32>
    %sub3A_962 = arith.constant 1.500000e+00 : f32
    %sub3A_963 = vector.broadcast %sub3A_962 : f32 to vector<16xf32>
    %sub3A_964 = arith.subf %sub3A_963, %mul3A_961 : vector<16xf32>
    %mul3A_965 = arith.mulf %mul3A_956, %sub3A_964 : vector<16xf32>
    %mul3A_966 = arith.mulf %get3A_921, %mul3A_965 : vector<16xf32>
    %add3A_967 = arith.addf %add3A_919, %mul3A_966 : vector<16xf32>
    %div3A_968 = arith.constant 3.000000e+00 : f32
    %div3A_969 = vector.broadcast %div3A_968 : f32 to vector<16xf32>
    %div3A_970 = arith.divf %add3A_967, %div3A_969 : vector<16xf32>
    %max3A_971 = arith.constant 9.99999974E-6 : f32
    %max3A_972 = vector.broadcast %max3A_971 : f32 to vector<16xf32>
    %max3A_973 = arith.maximumf %div3A_970, %max3A_972 : vector<16xf32>
    %get3A_974 = arith.constant 80 : index
    %get3A_975 = tpu.vector_load %arg17[%get3A_974] {strides = array<i32>} : memref<128xf32, #tpu.memory_space<vmem>>, vector<16xf32>,
    %mul3A_976 = arith.mulf %max3A_973, %get3A_975 : vector<16xf32>
    %swap3A_977 = arith.constant 80 : index
    %swap3A_978 = tpu.vector_load %arg20[%swap3A_977] {strides = array<i32>} : memref<128xf32, #tpu.memory_space<vmem>>, vector<16xf32>,
    tpu.vector_store %arg20[%swap3A_977], %mul3A_976 {strides = array<i32>} : memref<128xf32, #tpu.memory_space<vmem>>, vector<16xf32>,
    %get3A_979 = arith.constant 80 : index
    %get3A_980 = tpu.vector_load %arg18[%get3A_979] {strides = array<i32>} : memref<128xf32, #tpu.memory_space<vmem>>, vector<16xf32>,
    %mul3A_981 = arith.mulf %max3A_973, %get3A_980 : vector<16xf32>
    %swap3A_982 = arith.constant 80 : index
    %swap3A_983 = tpu.vector_load %arg21[%swap3A_982] {strides = array<i32>} : memref<128xf32, #tpu.memory_space<vmem>>, vector<16xf32>,
    tpu.vector_store %arg21[%swap3A_982], %mul3A_981 {strides = array<i32>} : memref<128xf32, #tpu.memory_space<vmem>>, vector<16xf32>,
    %get3A_984 = arith.constant 80 : index
    %get3A_985 = tpu.vector_load %arg19[%get3A_984] {strides = array<i32>} : memref<128xf32, #tpu.memory_space<vmem>>, vector<16xf32>,
    %mul3A_986 = arith.mulf %max3A_973, %get3A_985 : vector<16xf32>
    %swap3A_987 = arith.constant 80 : index
    %swap3A_988 = tpu.vector_load %arg22[%swap3A_987] {strides = array<i32>} : memref<128xf32, #tpu.memory_space<vmem>>, vector<16xf32>,
    tpu.vector_store %arg22[%swap3A_987], %mul3A_986 {strides = array<i32>} : memref<128xf32, #tpu.memory_space<vmem>>, vector<16xf32>,
    %get3A_989 = arith.constant 96 : index
    %get3A_990 = tpu.vector_load %arg14[%get3A_989] {strides = array<i32>} : memref<128xf32, #tpu.memory_space<vmem>>, vector<16xf32>,
    %bitcast3A_991 = vector.bitcast %get3A_990 : vector<16xf32> to vector<16xi32>
    %shift_right_arithmetic3A_992 = arith.constant 1 : i32
    %shift_right_arithmetic3A_993 = vector.broadcast %shift_right_arithmetic3A_992 : i32 to vector<16xi32>
    %shift_right_arithmetic3A_994 = arith.shrsi %bitcast3A_991, %shift_right_arithmetic3A_993 : vector<16xi32>
    %sub3A_995 = arith.constant 1597463007 : i32
    %sub3A_996 = vector.broadcast %sub3A_995 : i32 to vector<16xi32>
    %sub3A_997 = arith.subi %sub3A_996, %shift_right_arithmetic3A_994 : vector<16xi32>
    %bitcast3A_998 = vector.bitcast %sub3A_997 : vector<16xi32> to vector<16xf32>
    %mul3A_999 = arith.constant 5.000000e-01 : f32
    %mul3A_1000 = vector.broadcast %mul3A_999 : f32 to vector<16xf32>
    %mul3A_1001 = arith.mulf %mul3A_1000, %get3A_990 : vector<16xf32>
    %mul3A_1002 = arith.mulf %mul3A_1001, %bitcast3A_998 : vector<16xf32>
    %mul3A_1003 = arith.mulf %mul3A_1002, %bitcast3A_998 : vector<16xf32>
    %sub3A_1004 = arith.constant 1.500000e+00 : f32
    %sub3A_1005 = vector.broadcast %sub3A_1004 : f32 to vector<16xf32>
    %sub3A_1006 = arith.subf %sub3A_1005, %mul3A_1003 : vector<16xf32>
    %mul3A_1007 = arith.mulf %bitcast3A_998, %sub3A_1006 : vector<16xf32>
    %mul3A_1008 = arith.constant 5.000000e-01 : f32
    %mul3A_1009 = vector.broadcast %mul3A_1008 : f32 to vector<16xf32>
    %mul3A_1010 = arith.mulf %mul3A_1009, %get3A_990 : vector<16xf32>
    %mul3A_1011 = arith.mulf %mul3A_1010, %mul3A_1007 : vector<16xf32>
    %mul3A_1012 = arith.mulf %mul3A_1011, %mul3A_1007 : vector<16xf32>
    %sub3A_1013 = arith.constant 1.500000e+00 : f32
    %sub3A_1014 = vector.broadcast %sub3A_1013 : f32 to vector<16xf32>
    %sub3A_1015 = arith.subf %sub3A_1014, %mul3A_1012 : vector<16xf32>
    %mul3A_1016 = arith.mulf %mul3A_1007, %sub3A_1015 : vector<16xf32>
    %mul3A_1017 = arith.constant 5.000000e-01 : f32
    %mul3A_1018 = vector.broadcast %mul3A_1017 : f32 to vector<16xf32>
    %mul3A_1019 = arith.mulf %mul3A_1018, %get3A_990 : vector<16xf32>
    %mul3A_1020 = arith.mulf %mul3A_1019, %mul3A_1016 : vector<16xf32>
    %mul3A_1021 = arith.mulf %mul3A_1020, %mul3A_1016 : vector<16xf32>
    %sub3A_1022 = arith.constant 1.500000e+00 : f32
    %sub3A_1023 = vector.broadcast %sub3A_1022 : f32 to vector<16xf32>
    %sub3A_1024 = arith.subf %sub3A_1023, %mul3A_1021 : vector<16xf32>
    %mul3A_1025 = arith.mulf %mul3A_1016, %sub3A_1024 : vector<16xf32>
    %mul3A_1026 = arith.constant 5.000000e-01 : f32
    %mul3A_1027 = vector.broadcast %mul3A_1026 : f32 to vector<16xf32>
    %mul3A_1028 = arith.mulf %mul3A_1027, %get3A_990 : vector<16xf32>
    %mul3A_1029 = arith.mulf %mul3A_1028, %mul3A_1025 : vector<16xf32>
    %mul3A_1030 = arith.mulf %mul3A_1029, %mul3A_1025 : vector<16xf32>
    %sub3A_1031 = arith.constant 1.500000e+00 : f32
    %sub3A_1032 = vector.broadcast %sub3A_1031 : f32 to vector<16xf32>
    %sub3A_1033 = arith.subf %sub3A_1032, %mul3A_1030 : vector<16xf32>
    %mul3A_1034 = arith.mulf %mul3A_1025, %sub3A_1033 : vector<16xf32>
    %mul3A_1035 = arith.mulf %get3A_990, %mul3A_1034 : vector<16xf32>
    %get3A_1036 = arith.constant 96 : index
    %get3A_1037 = tpu.vector_load %arg15[%get3A_1036] {strides = array<i32>} : memref<128xf32, #tpu.memory_space<vmem>>, vector<16xf32>,
    %bitcast3A_1038 = vector.bitcast %get3A_1037 : vector<16xf32> to vector<16xi32>
    %shift_right_arithmetic3A_1039 = arith.constant 1 : i32
    %shift_right_arithmetic3A_1040 = vector.broadcast %shift_right_arithmetic3A_1039 : i32 to vector<16xi32>
    %shift_right_arithmetic3A_1041 = arith.shrsi %bitcast3A_1038, %shift_right_arithmetic3A_1040 : vector<16xi32>
    %sub3A_1042 = arith.constant 1597463007 : i32
    %sub3A_1043 = vector.broadcast %sub3A_1042 : i32 to vector<16xi32>
    %sub3A_1044 = arith.subi %sub3A_1043, %shift_right_arithmetic3A_1041 : vector<16xi32>
    %bitcast3A_1045 = vector.bitcast %sub3A_1044 : vector<16xi32> to vector<16xf32>
    %mul3A_1046 = arith.constant 5.000000e-01 : f32
    %mul3A_1047 = vector.broadcast %mul3A_1046 : f32 to vector<16xf32>
    %mul3A_1048 = arith.mulf %mul3A_1047, %get3A_1037 : vector<16xf32>
    %mul3A_1049 = arith.mulf %mul3A_1048, %bitcast3A_1045 : vector<16xf32>
    %mul3A_1050 = arith.mulf %mul3A_1049, %bitcast3A_1045 : vector<16xf32>
    %sub3A_1051 = arith.constant 1.500000e+00 : f32
    %sub3A_1052 = vector.broadcast %sub3A_1051 : f32 to vector<16xf32>
    %sub3A_1053 = arith.subf %sub3A_1052, %mul3A_1050 : vector<16xf32>
    %mul3A_1054 = arith.mulf %bitcast3A_1045, %sub3A_1053 : vector<16xf32>
    %mul3A_1055 = arith.constant 5.000000e-01 : f32
    %mul3A_1056 = vector.broadcast %mul3A_1055 : f32 to vector<16xf32>
    %mul3A_1057 = arith.mulf %mul3A_1056, %get3A_1037 : vector<16xf32>
    %mul3A_1058 = arith.mulf %mul3A_1057, %mul3A_1054 : vector<16xf32>
    %mul3A_1059 = arith.mulf %mul3A_1058, %mul3A_1054 : vector<16xf32>
    %sub3A_1060 = arith.constant 1.500000e+00 : f32
    %sub3A_1061 = vector.broadcast %sub3A_1060 : f32 to vector<16xf32>
    %sub3A_1062 = arith.subf %sub3A_1061, %mul3A_1059 : vector<16xf32>
    %mul3A_1063 = arith.mulf %mul3A_1054, %sub3A_1062 : vector<16xf32>
    %mul3A_1064 = arith.constant 5.000000e-01 : f32
    %mul3A_1065 = vector.broadcast %mul3A_1064 : f32 to vector<16xf32>
    %mul3A_1066 = arith.mulf %mul3A_1065, %get3A_1037 : vector<16xf32>
    %mul3A_1067 = arith.mulf %mul3A_1066, %mul3A_1063 : vector<16xf32>
    %mul3A_1068 = arith.mulf %mul3A_1067, %mul3A_1063 : vector<16xf32>
    %sub3A_1069 = arith.constant 1.500000e+00 : f32
    %sub3A_1070 = vector.broadcast %sub3A_1069 : f32 to vector<16xf32>
    %sub3A_1071 = arith.subf %sub3A_1070, %mul3A_1068 : vector<16xf32>
    %mul3A_1072 = arith.mulf %mul3A_1063, %sub3A_1071 : vector<16xf32>
    %mul3A_1073 = arith.constant 5.000000e-01 : f32
    %mul3A_1074 = vector.broadcast %mul3A_1073 : f32 to vector<16xf32>
    %mul3A_1075 = arith.mulf %mul3A_1074, %get3A_1037 : vector<16xf32>
    %mul3A_1076 = arith.mulf %mul3A_1075, %mul3A_1072 : vector<16xf32>
    %mul3A_1077 = arith.mulf %mul3A_1076, %mul3A_1072 : vector<16xf32>
    %sub3A_1078 = arith.constant 1.500000e+00 : f32
    %sub3A_1079 = vector.broadcast %sub3A_1078 : f32 to vector<16xf32>
    %sub3A_1080 = arith.subf %sub3A_1079, %mul3A_1077 : vector<16xf32>
    %mul3A_1081 = arith.mulf %mul3A_1072, %sub3A_1080 : vector<16xf32>
    %mul3A_1082 = arith.mulf %get3A_1037, %mul3A_1081 : vector<16xf32>
    %add3A_1083 = arith.addf %mul3A_1035, %mul3A_1082 : vector<16xf32>
    %get3A_1084 = arith.constant 96 : index
    %get3A_1085 = tpu.vector_load %arg16[%get3A_1084] {strides = array<i32>} : memref<128xf32, #tpu.memory_space<vmem>>, vector<16xf32>,
    %bitcast3A_1086 = vector.bitcast %get3A_1085 : vector<16xf32> to vector<16xi32>
    %shift_right_arithmetic3A_1087 = arith.constant 1 : i32
    %shift_right_arithmetic3A_1088 = vector.broadcast %shift_right_arithmetic3A_1087 : i32 to vector<16xi32>
    %shift_right_arithmetic3A_1089 = arith.shrsi %bitcast3A_1086, %shift_right_arithmetic3A_1088 : vector<16xi32>
    %sub3A_1090 = arith.constant 1597463007 : i32
    %sub3A_1091 = vector.broadcast %sub3A_1090 : i32 to vector<16xi32>
    %sub3A_1092 = arith.subi %sub3A_1091, %shift_right_arithmetic3A_1089 : vector<16xi32>
    %bitcast3A_1093 = vector.bitcast %sub3A_1092 : vector<16xi32> to vector<16xf32>
    %mul3A_1094 = arith.constant 5.000000e-01 : f32
    %mul3A_1095 = vector.broadcast %mul3A_1094 : f32 to vector<16xf32>
    %mul3A_1096 = arith.mulf %mul3A_1095, %get3A_1085 : vector<16xf32>
    %mul3A_1097 = arith.mulf %mul3A_1096, %bitcast3A_1093 : vector<16xf32>
    %mul3A_1098 = arith.mulf %mul3A_1097, %bitcast3A_1093 : vector<16xf32>
    %sub3A_1099 = arith.constant 1.500000e+00 : f32
    %sub3A_1100 = vector.broadcast %sub3A_1099 : f32 to vector<16xf32>
    %sub3A_1101 = arith.subf %sub3A_1100, %mul3A_1098 : vector<16xf32>
    %mul3A_1102 = arith.mulf %bitcast3A_1093, %sub3A_1101 : vector<16xf32>
    %mul3A_1103 = arith.constant 5.000000e-01 : f32
    %mul3A_1104 = vector.broadcast %mul3A_1103 : f32 to vector<16xf32>
    %mul3A_1105 = arith.mulf %mul3A_1104, %get3A_1085 : vector<16xf32>
    %mul3A_1106 = arith.mulf %mul3A_1105, %mul3A_1102 : vector<16xf32>
    %mul3A_1107 = arith.mulf %mul3A_1106, %mul3A_1102 : vector<16xf32>
    %sub3A_1108 = arith.constant 1.500000e+00 : f32
    %sub3A_1109 = vector.broadcast %sub3A_1108 : f32 to vector<16xf32>
    %sub3A_1110 = arith.subf %sub3A_1109, %mul3A_1107 : vector<16xf32>
    %mul3A_1111 = arith.mulf %mul3A_1102, %sub3A_1110 : vector<16xf32>
    %mul3A_1112 = arith.constant 5.000000e-01 : f32
    %mul3A_1113 = vector.broadcast %mul3A_1112 : f32 to vector<16xf32>
    %mul3A_1114 = arith.mulf %mul3A_1113, %get3A_1085 : vector<16xf32>
    %mul3A_1115 = arith.mulf %mul3A_1114, %mul3A_1111 : vector<16xf32>
    %mul3A_1116 = arith.mulf %mul3A_1115, %mul3A_1111 : vector<16xf32>
    %sub3A_1117 = arith.constant 1.500000e+00 : f32
    %sub3A_1118 = vector.broadcast %sub3A_1117 : f32 to vector<16xf32>
    %sub3A_1119 = arith.subf %sub3A_1118, %mul3A_1116 : vector<16xf32>
    %mul3A_1120 = arith.mulf %mul3A_1111, %sub3A_1119 : vector<16xf32>
    %mul3A_1121 = arith.constant 5.000000e-01 : f32
    %mul3A_1122 = vector.broadcast %mul3A_1121 : f32 to vector<16xf32>
    %mul3A_1123 = arith.mulf %mul3A_1122, %get3A_1085 : vector<16xf32>
    %mul3A_1124 = arith.mulf %mul3A_1123, %mul3A_1120 : vector<16xf32>
    %mul3A_1125 = arith.mulf %mul3A_1124, %mul3A_1120 : vector<16xf32>
    %sub3A_1126 = arith.constant 1.500000e+00 : f32
    %sub3A_1127 = vector.broadcast %sub3A_1126 : f32 to vector<16xf32>
    %sub3A_1128 = arith.subf %sub3A_1127, %mul3A_1125 : vector<16xf32>
    %mul3A_1129 = arith.mulf %mul3A_1120, %sub3A_1128 : vector<16xf32>
    %mul3A_1130 = arith.mulf %get3A_1085, %mul3A_1129 : vector<16xf32>
    %add3A_1131 = arith.addf %add3A_1083, %mul3A_1130 : vector<16xf32>
    %div3A_1132 = arith.constant 3.000000e+00 : f32
    %div3A_1133 = vector.broadcast %div3A_1132 : f32 to vector<16xf32>
    %div3A_1134 = arith.divf %add3A_1131, %div3A_1133 : vector<16xf32>
    %max3A_1135 = arith.constant 9.99999974E-6 : f32
    %max3A_1136 = vector.broadcast %max3A_1135 : f32 to vector<16xf32>
    %max3A_1137 = arith.maximumf %div3A_1134, %max3A_1136 : vector<16xf32>
    %get3A_1138 = arith.constant 96 : index
    %get3A_1139 = tpu.vector_load %arg17[%get3A_1138] {strides = array<i32>} : memref<128xf32, #tpu.memory_space<vmem>>, vector<16xf32>,
    %mul3A_1140 = arith.mulf %max3A_1137, %get3A_1139 : vector<16xf32>
    %swap3A_1141 = arith.constant 96 : index
    %swap3A_1142 = tpu.vector_load %arg20[%swap3A_1141] {strides = array<i32>} : memref<128xf32, #tpu.memory_space<vmem>>, vector<16xf32>,
    tpu.vector_store %arg20[%swap3A_1141], %mul3A_1140 {strides = array<i32>} : memref<128xf32, #tpu.memory_space<vmem>>, vector<16xf32>,
    %get3A_1143 = arith.constant 96 : index
    %get3A_1144 = tpu.vector_load %arg18[%get3A_1143] {strides = array<i32>} : memref<128xf32, #tpu.memory_space<vmem>>, vector<16xf32>,
    %mul3A_1145 = arith.mulf %max3A_1137, %get3A_1144 : vector<16xf32>
    %swap3A_1146 = arith.constant 96 : index
    %swap3A_1147 = tpu.vector_load %arg21[%swap3A_1146] {strides = array<i32>} : memref<128xf32, #tpu.memory_space<vmem>>, vector<16xf32>,
    tpu.vector_store %arg21[%swap3A_1146], %mul3A_1145 {strides = array<i32>} : memref<128xf32, #tpu.memory_space<vmem>>, vector<16xf32>,
    %get3A_1148 = arith.constant 96 : index
    %get3A_1149 = tpu.vector_load %arg19[%get3A_1148] {strides = array<i32>} : memref<128xf32, #tpu.memory_space<vmem>>, vector<16xf32>,
    %mul3A_1150 = arith.mulf %max3A_1137, %get3A_1149 : vector<16xf32>
    %swap3A_1151 = arith.constant 96 : index
    %swap3A_1152 = tpu.vector_load %arg22[%swap3A_1151] {strides = array<i32>} : memref<128xf32, #tpu.memory_space<vmem>>, vector<16xf32>,
    tpu.vector_store %arg22[%swap3A_1151], %mul3A_1150 {strides = array<i32>} : memref<128xf32, #tpu.memory_space<vmem>>, vector<16xf32>,
    %get3A_1153 = arith.constant 112 : index
    %get3A_1154 = tpu.vector_load %arg14[%get3A_1153] {strides = array<i32>} : memref<128xf32, #tpu.memory_space<vmem>>, vector<16xf32>,
    %bitcast3A_1155 = vector.bitcast %get3A_1154 : vector<16xf32> to vector<16xi32>
    %shift_right_arithmetic3A_1156 = arith.constant 1 : i32
    %shift_right_arithmetic3A_1157 = vector.broadcast %shift_right_arithmetic3A_1156 : i32 to vector<16xi32>
    %shift_right_arithmetic3A_1158 = arith.shrsi %bitcast3A_1155, %shift_right_arithmetic3A_1157 : vector<16xi32>
    %sub3A_1159 = arith.constant 1597463007 : i32
    %sub3A_1160 = vector.broadcast %sub3A_1159 : i32 to vector<16xi32>
    %sub3A_1161 = arith.subi %sub3A_1160, %shift_right_arithmetic3A_1158 : vector<16xi32>
    %bitcast3A_1162 = vector.bitcast %sub3A_1161 : vector<16xi32> to vector<16xf32>
    %mul3A_1163 = arith.constant 5.000000e-01 : f32
    %mul3A_1164 = vector.broadcast %mul3A_1163 : f32 to vector<16xf32>
    %mul3A_1165 = arith.mulf %mul3A_1164, %get3A_1154 : vector<16xf32>
    %mul3A_1166 = arith.mulf %mul3A_1165, %bitcast3A_1162 : vector<16xf32>
    %mul3A_1167 = arith.mulf %mul3A_1166, %bitcast3A_1162 : vector<16xf32>
    %sub3A_1168 = arith.constant 1.500000e+00 : f32
    %sub3A_1169 = vector.broadcast %sub3A_1168 : f32 to vector<16xf32>
    %sub3A_1170 = arith.subf %sub3A_1169, %mul3A_1167 : vector<16xf32>
    %mul3A_1171 = arith.mulf %bitcast3A_1162, %sub3A_1170 : vector<16xf32>
    %mul3A_1172 = arith.constant 5.000000e-01 : f32
    %mul3A_1173 = vector.broadcast %mul3A_1172 : f32 to vector<16xf32>
    %mul3A_1174 = arith.mulf %mul3A_1173, %get3A_1154 : vector<16xf32>
    %mul3A_1175 = arith.mulf %mul3A_1174, %mul3A_1171 : vector<16xf32>
    %mul3A_1176 = arith.mulf %mul3A_1175, %mul3A_1171 : vector<16xf32>
    %sub3A_1177 = arith.constant 1.500000e+00 : f32
    %sub3A_1178 = vector.broadcast %sub3A_1177 : f32 to vector<16xf32>
    %sub3A_1179 = arith.subf %sub3A_1178, %mul3A_1176 : vector<16xf32>
    %mul3A_1180 = arith.mulf %mul3A_1171, %sub3A_1179 : vector<16xf32>
    %mul3A_1181 = arith.constant 5.000000e-01 : f32
    %mul3A_1182 = vector.broadcast %mul3A_1181 : f32 to vector<16xf32>
    %mul3A_1183 = arith.mulf %mul3A_1182, %get3A_1154 : vector<16xf32>
    %mul3A_1184 = arith.mulf %mul3A_1183, %mul3A_1180 : vector<16xf32>
    %mul3A_1185 = arith.mulf %mul3A_1184, %mul3A_1180 : vector<16xf32>
    %sub3A_1186 = arith.constant 1.500000e+00 : f32
    %sub3A_1187 = vector.broadcast %sub3A_1186 : f32 to vector<16xf32>
    %sub3A_1188 = arith.subf %sub3A_1187, %mul3A_1185 : vector<16xf32>
    %mul3A_1189 = arith.mulf %mul3A_1180, %sub3A_1188 : vector<16xf32>
    %mul3A_1190 = arith.constant 5.000000e-01 : f32
    %mul3A_1191 = vector.broadcast %mul3A_1190 : f32 to vector<16xf32>
    %mul3A_1192 = arith.mulf %mul3A_1191, %get3A_1154 : vector<16xf32>
    %mul3A_1193 = arith.mulf %mul3A_1192, %mul3A_1189 : vector<16xf32>
    %mul3A_1194 = arith.mulf %mul3A_1193, %mul3A_1189 : vector<16xf32>
    %sub3A_1195 = arith.constant 1.500000e+00 : f32
    %sub3A_1196 = vector.broadcast %sub3A_1195 : f32 to vector<16xf32>
    %sub3A_1197 = arith.subf %sub3A_1196, %mul3A_1194 : vector<16xf32>
    %mul3A_1198 = arith.mulf %mul3A_1189, %sub3A_1197 : vector<16xf32>
    %mul3A_1199 = arith.mulf %get3A_1154, %mul3A_1198 : vector<16xf32>
    %get3A_1200 = arith.constant 112 : index
    %get3A_1201 = tpu.vector_load %arg15[%get3A_1200] {strides = array<i32>} : memref<128xf32, #tpu.memory_space<vmem>>, vector<16xf32>,
    %bitcast3A_1202 = vector.bitcast %get3A_1201 : vector<16xf32> to vector<16xi32>
    %shift_right_arithmetic3A_1203 = arith.constant 1 : i32
    %shift_right_arithmetic3A_1204 = vector.broadcast %shift_right_arithmetic3A_1203 : i32 to vector<16xi32>
    %shift_right_arithmetic3A_1205 = arith.shrsi %bitcast3A_1202, %shift_right_arithmetic3A_1204 : vector<16xi32>
    %sub3A_1206 = arith.constant 1597463007 : i32
    %sub3A_1207 = vector.broadcast %sub3A_1206 : i32 to vector<16xi32>
    %sub3A_1208 = arith.subi %sub3A_1207, %shift_right_arithmetic3A_1205 : vector<16xi32>
    %bitcast3A_1209 = vector.bitcast %sub3A_1208 : vector<16xi32> to vector<16xf32>
    %mul3A_1210 = arith.constant 5.000000e-01 : f32
    %mul3A_1211 = vector.broadcast %mul3A_1210 : f32 to vector<16xf32>
    %mul3A_1212 = arith.mulf %mul3A_1211, %get3A_1201 : vector<16xf32>
    %mul3A_1213 = arith.mulf %mul3A_1212, %bitcast3A_1209 : vector<16xf32>
    %mul3A_1214 = arith.mulf %mul3A_1213, %bitcast3A_1209 : vector<16xf32>
    %sub3A_1215 = arith.constant 1.500000e+00 : f32
    %sub3A_1216 = vector.broadcast %sub3A_1215 : f32 to vector<16xf32>
    %sub3A_1217 = arith.subf %sub3A_1216, %mul3A_1214 : vector<16xf32>
    %mul3A_1218 = arith.mulf %bitcast3A_1209, %sub3A_1217 : vector<16xf32>
    %mul3A_1219 = arith.constant 5.000000e-01 : f32
    %mul3A_1220 = vector.broadcast %mul3A_1219 : f32 to vector<16xf32>
    %mul3A_1221 = arith.mulf %mul3A_1220, %get3A_1201 : vector<16xf32>
    %mul3A_1222 = arith.mulf %mul3A_1221, %mul3A_1218 : vector<16xf32>
    %mul3A_1223 = arith.mulf %mul3A_1222, %mul3A_1218 : vector<16xf32>
    %sub3A_1224 = arith.constant 1.500000e+00 : f32
    %sub3A_1225 = vector.broadcast %sub3A_1224 : f32 to vector<16xf32>
    %sub3A_1226 = arith.subf %sub3A_1225, %mul3A_1223 : vector<16xf32>
    %mul3A_1227 = arith.mulf %mul3A_1218, %sub3A_1226 : vector<16xf32>
    %mul3A_1228 = arith.constant 5.000000e-01 : f32
    %mul3A_1229 = vector.broadcast %mul3A_1228 : f32 to vector<16xf32>
    %mul3A_1230 = arith.mulf %mul3A_1229, %get3A_1201 : vector<16xf32>
    %mul3A_1231 = arith.mulf %mul3A_1230, %mul3A_1227 : vector<16xf32>
    %mul3A_1232 = arith.mulf %mul3A_1231, %mul3A_1227 : vector<16xf32>
    %sub3A_1233 = arith.constant 1.500000e+00 : f32
    %sub3A_1234 = vector.broadcast %sub3A_1233 : f32 to vector<16xf32>
    %sub3A_1235 = arith.subf %sub3A_1234, %mul3A_1232 : vector<16xf32>
    %mul3A_1236 = arith.mulf %mul3A_1227, %sub3A_1235 : vector<16xf32>
    %mul3A_1237 = arith.constant 5.000000e-01 : f32
    %mul3A_1238 = vector.broadcast %mul3A_1237 : f32 to vector<16xf32>
    %mul3A_1239 = arith.mulf %mul3A_1238, %get3A_1201 : vector<16xf32>
    %mul3A_1240 = arith.mulf %mul3A_1239, %mul3A_1236 : vector<16xf32>
    %mul3A_1241 = arith.mulf %mul3A_1240, %mul3A_1236 : vector<16xf32>
    %sub3A_1242 = arith.constant 1.500000e+00 : f32
    %sub3A_1243 = vector.broadcast %sub3A_1242 : f32 to vector<16xf32>
    %sub3A_1244 = arith.subf %sub3A_1243, %mul3A_1241 : vector<16xf32>
    %mul3A_1245 = arith.mulf %mul3A_1236, %sub3A_1244 : vector<16xf32>
    %mul3A_1246 = arith.mulf %get3A_1201, %mul3A_1245 : vector<16xf32>
    %add3A_1247 = arith.addf %mul3A_1199, %mul3A_1246 : vector<16xf32>
    %get3A_1248 = arith.constant 112 : index
    %get3A_1249 = tpu.vector_load %arg16[%get3A_1248] {strides = array<i32>} : memref<128xf32, #tpu.memory_space<vmem>>, vector<16xf32>,
    %bitcast3A_1250 = vector.bitcast %get3A_1249 : vector<16xf32> to vector<16xi32>
    %shift_right_arithmetic3A_1251 = arith.constant 1 : i32
    %shift_right_arithmetic3A_1252 = vector.broadcast %shift_right_arithmetic3A_1251 : i32 to vector<16xi32>
    %shift_right_arithmetic3A_1253 = arith.shrsi %bitcast3A_1250, %shift_right_arithmetic3A_1252 : vector<16xi32>
    %sub3A_1254 = arith.constant 1597463007 : i32
    %sub3A_1255 = vector.broadcast %sub3A_1254 : i32 to vector<16xi32>
    %sub3A_1256 = arith.subi %sub3A_1255, %shift_right_arithmetic3A_1253 : vector<16xi32>
    %bitcast3A_1257 = vector.bitcast %sub3A_1256 : vector<16xi32> to vector<16xf32>
    %mul3A_1258 = arith.constant 5.000000e-01 : f32
    %mul3A_1259 = vector.broadcast %mul3A_1258 : f32 to vector<16xf32>
    %mul3A_1260 = arith.mulf %mul3A_1259, %get3A_1249 : vector<16xf32>
    %mul3A_1261 = arith.mulf %mul3A_1260, %bitcast3A_1257 : vector<16xf32>
    %mul3A_1262 = arith.mulf %mul3A_1261, %bitcast3A_1257 : vector<16xf32>
    %sub3A_1263 = arith.constant 1.500000e+00 : f32
    %sub3A_1264 = vector.broadcast %sub3A_1263 : f32 to vector<16xf32>
    %sub3A_1265 = arith.subf %sub3A_1264, %mul3A_1262 : vector<16xf32>
    %mul3A_1266 = arith.mulf %bitcast3A_1257, %sub3A_1265 : vector<16xf32>
    %mul3A_1267 = arith.constant 5.000000e-01 : f32
    %mul3A_1268 = vector.broadcast %mul3A_1267 : f32 to vector<16xf32>
    %mul3A_1269 = arith.mulf %mul3A_1268, %get3A_1249 : vector<16xf32>
    %mul3A_1270 = arith.mulf %mul3A_1269, %mul3A_1266 : vector<16xf32>
    %mul3A_1271 = arith.mulf %mul3A_1270, %mul3A_1266 : vector<16xf32>
    %sub3A_1272 = arith.constant 1.500000e+00 : f32
    %sub3A_1273 = vector.broadcast %sub3A_1272 : f32 to vector<16xf32>
    %sub3A_1274 = arith.subf %sub3A_1273, %mul3A_1271 : vector<16xf32>
    %mul3A_1275 = arith.mulf %mul3A_1266, %sub3A_1274 : vector<16xf32>
    %mul3A_1276 = arith.constant 5.000000e-01 : f32
    %mul3A_1277 = vector.broadcast %mul3A_1276 : f32 to vector<16xf32>
    %mul3A_1278 = arith.mulf %mul3A_1277, %get3A_1249 : vector<16xf32>
    %mul3A_1279 = arith.mulf %mul3A_1278, %mul3A_1275 : vector<16xf32>
    %mul3A_1280 = arith.mulf %mul3A_1279, %mul3A_1275 : vector<16xf32>
    %sub3A_1281 = arith.constant 1.500000e+00 : f32
    %sub3A_1282 = vector.broadcast %sub3A_1281 : f32 to vector<16xf32>
    %sub3A_1283 = arith.subf %sub3A_1282, %mul3A_1280 : vector<16xf32>
    %mul3A_1284 = arith.mulf %mul3A_1275, %sub3A_1283 : vector<16xf32>
    %mul3A_1285 = arith.constant 5.000000e-01 : f32
    %mul3A_1286 = vector.broadcast %mul3A_1285 : f32 to vector<16xf32>
    %mul3A_1287 = arith.mulf %mul3A_1286, %get3A_1249 : vector<16xf32>
    %mul3A_1288 = arith.mulf %mul3A_1287, %mul3A_1284 : vector<16xf32>
    %mul3A_1289 = arith.mulf %mul3A_1288, %mul3A_1284 : vector<16xf32>
    %sub3A_1290 = arith.constant 1.500000e+00 : f32
    %sub3A_1291 = vector.broadcast %sub3A_1290 : f32 to vector<16xf32>
    %sub3A_1292 = arith.subf %sub3A_1291, %mul3A_1289 : vector<16xf32>
    %mul3A_1293 = arith.mulf %mul3A_1284, %sub3A_1292 : vector<16xf32>
    %mul3A_1294 = arith.mulf %get3A_1249, %mul3A_1293 : vector<16xf32>
    %add3A_1295 = arith.addf %add3A_1247, %mul3A_1294 : vector<16xf32>
    %div3A_1296 = arith.constant 3.000000e+00 : f32
    %div3A_1297 = vector.broadcast %div3A_1296 : f32 to vector<16xf32>
    %div3A_1298 = arith.divf %add3A_1295, %div3A_1297 : vector<16xf32>
    %max3A_1299 = arith.constant 9.99999974E-6 : f32
    %max3A_1300 = vector.broadcast %max3A_1299 : f32 to vector<16xf32>
    %max3A_1301 = arith.maximumf %div3A_1298, %max3A_1300 : vector<16xf32>
    %get3A_1302 = arith.constant 112 : index
    %get3A_1303 = tpu.vector_load %arg17[%get3A_1302] {strides = array<i32>} : memref<128xf32, #tpu.memory_space<vmem>>, vector<16xf32>,
    %mul3A_1304 = arith.mulf %max3A_1301, %get3A_1303 : vector<16xf32>
    %swap3A_1305 = arith.constant 112 : index
    %swap3A_1306 = tpu.vector_load %arg20[%swap3A_1305] {strides = array<i32>} : memref<128xf32, #tpu.memory_space<vmem>>, vector<16xf32>,
    tpu.vector_store %arg20[%swap3A_1305], %mul3A_1304 {strides = array<i32>} : memref<128xf32, #tpu.memory_space<vmem>>, vector<16xf32>,
    %get3A_1307 = arith.constant 112 : index
    %get3A_1308 = tpu.vector_load %arg18[%get3A_1307] {strides = array<i32>} : memref<128xf32, #tpu.memory_space<vmem>>, vector<16xf32>,
    %mul3A_1309 = arith.mulf %max3A_1301, %get3A_1308 : vector<16xf32>
    %swap3A_1310 = arith.constant 112 : index
    %swap3A_1311 = tpu.vector_load %arg21[%swap3A_1310] {strides = array<i32>} : memref<128xf32, #tpu.memory_space<vmem>>, vector<16xf32>,
    tpu.vector_store %arg21[%swap3A_1310], %mul3A_1309 {strides = array<i32>} : memref<128xf32, #tpu.memory_space<vmem>>, vector<16xf32>,
    %get3A_1312 = arith.constant 112 : index
    %get3A_1313 = tpu.vector_load %arg19[%get3A_1312] {strides = array<i32>} : memref<128xf32, #tpu.memory_space<vmem>>, vector<16xf32>,
    %mul3A_1314 = arith.mulf %max3A_1301, %get3A_1313 : vector<16xf32>
    %swap3A_1315 = arith.constant 112 : index
    %swap3A_1316 = tpu.vector_load %arg22[%swap3A_1315] {strides = array<i32>} : memref<128xf32, #tpu.memory_space<vmem>>, vector<16xf32>,
    tpu.vector_store %arg22[%swap3A_1315], %mul3A_1314 {strides = array<i32>} : memref<128xf32, #tpu.memory_space<vmem>>, vector<16xf32>,
    "tpu.region"() ({
      %run_scoped3A = tpu.sem_alloc : memref<!tpu.dma_semaphore, #tpu.memory_space<semaphore_mem>>
      %dma_start3A = tpu.memref_slice %arg8[%mul3A_2] : memref<4096xf32, #tpu.memory_space<hbm>> -> memref<128xf32, #tpu.memory_space<hbm>>
      %dma_start3A_1317 = tpu.memref_slice %arg8[%mul3A_2] : memref<4096xf32, #tpu.memory_space<hbm>> -> memref<128xf32, #tpu.memory_space<hbm>>
      tpu.enqueue_dma source(%arg20 : memref<128xf32, #tpu.memory_space<vmem>>) target(%dma_start3A_1317 : memref<128xf32, #tpu.memory_space<hbm>>) target_semaphore(%run_scoped3A : memref<!tpu.dma_semaphore, #tpu.memory_space<semaphore_mem>>)
      %dma_wait3A = tpu.memref_slice %arg8[%mul3A_2] : memref<4096xf32, #tpu.memory_space<hbm>> -> memref<128xf32, #tpu.memory_space<hbm>>
      %dma_wait3A_1318 = tpu.memref_slice %arg8[%mul3A_2] : memref<4096xf32, #tpu.memory_space<hbm>> -> memref<128xf32, #tpu.memory_space<hbm>>
      tpu.wait_dma2 semaphore(%run_scoped3A : memref<!tpu.dma_semaphore, #tpu.memory_space<semaphore_mem>>) src(%arg20 : memref<128xf32, #tpu.memory_space<vmem>>) dst(%dma_wait3A_1318 : memref<128xf32, #tpu.memory_space<hbm>>)
      tpu.yield
    }) : () -> ()
    "tpu.region"() ({
      %run_scoped3A = tpu.sem_alloc : memref<!tpu.dma_semaphore, #tpu.memory_space<semaphore_mem>>
      %dma_start3A = tpu.memref_slice %arg9[%mul3A_2] : memref<4096xf32, #tpu.memory_space<hbm>> -> memref<128xf32, #tpu.memory_space<hbm>>
      %dma_start3A_1317 = tpu.memref_slice %arg9[%mul3A_2] : memref<4096xf32, #tpu.memory_space<hbm>> -> memref<128xf32, #tpu.memory_space<hbm>>
      tpu.enqueue_dma source(%arg21 : memref<128xf32, #tpu.memory_space<vmem>>) target(%dma_start3A_1317 : memref<128xf32, #tpu.memory_space<hbm>>) target_semaphore(%run_scoped3A : memref<!tpu.dma_semaphore, #tpu.memory_space<semaphore_mem>>)
      %dma_wait3A = tpu.memref_slice %arg9[%mul3A_2] : memref<4096xf32, #tpu.memory_space<hbm>> -> memref<128xf32, #tpu.memory_space<hbm>>
      %dma_wait3A_1318 = tpu.memref_slice %arg9[%mul3A_2] : memref<4096xf32, #tpu.memory_space<hbm>> -> memref<128xf32, #tpu.memory_space<hbm>>
      tpu.wait_dma2 semaphore(%run_scoped3A : memref<!tpu.dma_semaphore, #tpu.memory_space<semaphore_mem>>) src(%arg21 : memref<128xf32, #tpu.memory_space<vmem>>) dst(%dma_wait3A_1318 : memref<128xf32, #tpu.memory_space<hbm>>)
      tpu.yield
    }) : () -> ()
    "tpu.region"() ({
      %run_scoped3A = tpu.sem_alloc : memref<!tpu.dma_semaphore, #tpu.memory_space<semaphore_mem>>
      %dma_start3A = tpu.memref_slice %arg10[%mul3A_2] : memref<4096xf32, #tpu.memory_space<hbm>> -> memref<128xf32, #tpu.memory_space<hbm>>
      %dma_start3A_1317 = tpu.memref_slice %arg10[%mul3A_2] : memref<4096xf32, #tpu.memory_space<hbm>> -> memref<128xf32, #tpu.memory_space<hbm>>
      tpu.enqueue_dma source(%arg22 : memref<128xf32, #tpu.memory_space<vmem>>) target(%dma_start3A_1317 : memref<128xf32, #tpu.memory_space<hbm>>) target_semaphore(%run_scoped3A : memref<!tpu.dma_semaphore, #tpu.memory_space<semaphore_mem>>)
      %dma_wait3A = tpu.memref_slice %arg10[%mul3A_2] : memref<4096xf32, #tpu.memory_space<hbm>> -> memref<128xf32, #tpu.memory_space<hbm>>
      %dma_wait3A_1318 = tpu.memref_slice %arg10[%mul3A_2] : memref<4096xf32, #tpu.memory_space<hbm>> -> memref<128xf32, #tpu.memory_space<hbm>>
      tpu.wait_dma2 semaphore(%run_scoped3A : memref<!tpu.dma_semaphore, #tpu.memory_space<semaphore_mem>>) src(%arg22 : memref<128xf32, #tpu.memory_space<vmem>>) dst(%dma_wait3A_1318 : memref<128xf32, #tpu.memory_space<hbm>>)
      tpu.yield
    }) : () -> ()
    return
  }
}

</mosaic_0001>

<sc_bundles>
// kernel: kernel.3.cloned.1.call-start
scs
__scs_entry_jumppad:
0x0: {  	(pc) =	sbr.rel $0x88, $3  }
0x1: {  	(tag) =	ssettag $0x0;
	lr =	simm.s32 $0x1  }
0x2: {  	[smem:$0x3F9F] =	sst lr;
	_ =	strace $0xD0000000  }
0x3: {  	_ = 	snop  }
0x4: {  	_ = 	snop  }
0x5: {  	_ = 	snop  }
0x6: {  	_ = 	snop  }
0x7: {  	_ = 	snop  }
__scs_overlays_trampoline_lowered:
0x8: {  	[smem:$0x3FAE] =	sst s0  }
0x9: {  	[smem:$0x3FAF] =	sst s1  }
0xa: {  	[smem:$0x3FB0] =	sst s2  }
0xb: {  	[smem:$0x3FB1] =	sst s3  }
0xc: {  	[smem:$0x3FB2] =	sst s4  }
0xd: {  	[smem:$0x3FB3] =	sst s5  }
0xe: {  	[smem:$0x3FB4] =	sst s6  }
0xf: {  	[smem:$0x3FB5] =	sst s7  }
0x10: {  	[smem:$0x3FB6] =	sst s8  }
0x11: {  	[smem:$0x3FB7] =	sst s9;
	s0 =	simm.s32 @!p0 $0x0  }
0x12: {  	s1 =	sld [smem:$0x3F9D];
	s0 =	simm.s32 @p0 $0x1  }
0x13: {  	[smem:$0x3FB8] =	sst s0;
	s0 =	simm.s32 @!p1 $0x0  }
0x14: {  	s2 =	sld [smem:$0x3F9C];
	s0 =	simm.s32 @p1 $0x1  }
0x15: {  	[smem:$0x3FB9] =	sst s0;
	s0 =	simm.s32 @!p2 $0x0  }
0x16: {  	s3 =	sld [smem:$0x3FDB];
	s0 =	simm.s32 @p2 $0x1  }
0x17: {  	s4 =	simm.s32 $0x1BF5;
	[smem:$0x3FBB] =	sst s0  }
0x18: {  	s0 =	sld [smem:$0x3F9E];
	_ =	swait.ge [sflag:s4], $0x0  }
0x19: {  	s7 =	sld [smem:$0x3F9F]  }
0x1a: {  	s8 =	sadd.s32 $0xFFFFE003, lr  }
0x1b: {  	s9 =	sadd.s32 $0xFFFFFEF7, lr;
	s5 =	simm.s32 $0xFFFFFFFF;
	p2 =	slt.u32 s8, $0xFFFFF086  }
0x1c: {  	p1 =	slt.u32 s9, $0xF7A;
	s5 =	simm.s32 @!p2 $0x0  }
0x1d: {  	s5 =	simm.s32 @p1 $0x1;
	p0 =	seq.s32 s7, s2  }
0x1e: {  	s7 =	smul.u32 @!p0 $0xF7A, s2;
	p2 =	seq.s32 @!p0 s5, $0x0  }
0x1f: {  	s9 =	smul.u32 $0xF7A, s1;
	s8 =	simm.s32 @!p0 $0x1BF5;
	p2 =	por !p2, p0  }
0x20: {  	[sflag:s8] =	ssyncset.s32 @!p0 $0xFFFFF086;
	s6 =	sadd.s32 @!p0 s3, s7;
	s7 =	simm.s32 @!p0 $0x108  }
0x21: {  	s3 =	sadd.s32 s3, s9;
	s6 =	sadd.s32 @!p0 $0x88, s6;
	s7 =	simm.s32 @p2 $0x1082  }
0x22: {  	[simem:s7], [sflag:s8] =	dma.local @!p0 [hbm:s6], $0xF7A  }
0x23: {  	s9 =	sor.u32 $0xD0000000, s2;
	s6 =	simm.s32 $0x108;
	_ =	swait.ge @!p0 [sflag:s8], $0x0  }
0x24: {  	s3 =	sadd.s32 $0x88, s3;
	s6 =	simm.s32 @!p1 $0x1082;
	[sflag:s4] =	ssyncset.s32 $0xFFFFF086  }
0x25: {  	[simem:s6], [sflag:s4] =	dma.local [hbm:s3], $0xF7A  }
0x26: {  	[smem:$0x3F9F] =	sst s1;
	(tag) =	ssettag s2;
	_ =	strace s9  }
0x27: {  	s1 =	sld [smem:$0x3FAF]  }
0x28: {  	s2 =	sld [smem:$0x3FB0]  }
0x29: {  	s4 =	sld [smem:$0x3FB2]  }
0x2a: {  	p0 =	seq.s32 s5, $0x0;
	s5 =	sld [smem:$0x3FB3]  }
0x2b: {  	s6 =	sld [smem:$0x3FB4]  }
0x2c: {  	s7 =	sld [smem:$0x3FB5]  }
0x2d: {  	s3 =	simm.s32 $0x108;
	s8 =	sld [smem:$0x3FB6]  }
0x2e: {  	s3 =	simm.s32 @!p0 $0x1082;
	s9 =	sld [smem:$0x3FB7]  }
0x2f: {  	lr =	sadd.s32 s0, s3;
	s0 =	sld [smem:$0x3FAE]  }
0x30: {  	s3 =	sld [smem:$0x3FB1]  }
0x31: {  	[smem:$0x3FBA] =	sst s10  }
0x32: {  	s10 =	sld [smem:$0x3FB8];
	_ =	sdelay $0x3  }
0x33: {  	p0 =	seq.s32 s10, $0x1;
	s10 =	sld [smem:$0x3FBA];
	_ =	sdelay $0x3  }
0x34: {  	[smem:$0x3FBA] =	sst s10  }
0x35: {  	s10 =	sld [smem:$0x3FB9];
	_ =	sdelay $0x3  }
0x36: {  	p1 =	seq.s32 s10, $0x1;
	s10 =	sld [smem:$0x3FBA];
	_ =	sdelay $0x3  }
0x37: {  	[smem:$0x3FBA] =	sst s10  }
0x38: {  	s10 =	sld [smem:$0x3FBB]  }
0x39: {  	_ = 	snop;
	(pc) =	sbr.ind lr, $3  }
0x3a: {  	_ = 	snop  }
0x3b: {  	_ = 	snop  }
0x3c: {  	p2 =	seq.s32 s10, $0x1;
	s10 =	sld [smem:$0x3FBA]  }
0x3d: {  	_ =	shalt  }
0x3e: {  	_ =	shalt  }
0x3f: {  	_ =	shalt  }
0x40: {  	_ =	shalt  }
0x41: {  	_ =	shalt  }
0x42: {  	_ =	shalt  }
0x43: {  	_ =	shalt  }
0x44: {  	_ =	shalt  }
0x45: {  	_ =	shalt  }
0x46: {  	_ =	shalt  }
0x47: {  	_ =	shalt  }
0x48: {  	_ =	shalt  }
0x49: {  	_ =	shalt  }
0x4a: {  	_ =	shalt  }
0x4b: {  	_ =	shalt  }
0x4c: {  	_ =	shalt  }
0x4d: {  	_ =	shalt  }
0x4e: {  	_ =	shalt  }
0x4f: {  	_ =	shalt  }
0x50: {  	_ =	shalt  }
0x51: {  	_ =	shalt  }
0x52: {  	_ =	shalt  }
0x53: {  	_ =	shalt  }
0x54: {  	_ =	shalt  }
0x55: {  	_ =	shalt  }
0x56: {  	_ =	shalt  }
0x57: {  	_ =	shalt  }
0x58: {  	_ =	shalt  }
0x59: {  	_ =	shalt  }
0x5a: {  	_ =	shalt  }
0x5b: {  	_ =	shalt  }
0x5c: {  	_ =	shalt  }
0x5d: {  	_ =	shalt  }
0x5e: {  	_ =	shalt  }
0x5f: {  	_ =	shalt  }
0x60: {  	_ =	shalt  }
0x61: {  	_ =	shalt  }
0x62: {  	_ =	shalt  }
0x63: {  	_ =	shalt  }
0x64: {  	_ =	shalt  }
0x65: {  	_ =	shalt  }
0x66: {  	_ =	shalt  }
0x67: {  	_ =	shalt  }
0x68: {  	_ =	shalt  }
0x69: {  	_ =	shalt  }
0x6a: {  	_ =	shalt  }
0x6b: {  	_ =	shalt  }
0x6c: {  	_ =	shalt  }
0x6d: {  	_ =	shalt  }
0x6e: {  	_ =	shalt  }
0x6f: {  	_ =	shalt  }
0x70: {  	_ =	shalt  }
0x71: {  	_ =	shalt  }
0x72: {  	_ =	shalt  }
0x73: {  	_ =	shalt  }
0x74: {  	_ =	shalt  }
0x75: {  	_ =	shalt  }
0x76: {  	_ =	shalt  }
0x77: {  	_ =	shalt  }
0x78: {  	_ =	shalt  }
0x79: {  	_ =	shalt  }
0x7a: {  	_ =	shalt  }
0x7b: {  	_ =	shalt  }
0x7c: {  	_ =	shalt  }
0x7d: {  	_ =	shalt  }
0x7e: {  	_ =	shalt  }
0x7f: {  	_ =	shalt  }
0x80: {  	_ =	shalt  }
0x81: {  	_ =	shalt  }
0x82: {  	_ =	shalt  }
0x83: {  	_ =	shalt  }
0x84: {  	_ =	shalt  }
0x85: {  	_ =	shalt  }
0x86: {  	_ =	shalt  }
0x87: {  	_ =	shalt  }
.Lfunc_end0:
.L_simem_size_0:
called_computation_lowered:
.L_overlay_start_0:
0x88: {  	s2 =	sld [smem:$0x3FD9]  }
0x89: {  	s3 =	sld [smem:$0x3FFE];
	_ =	sdelay $0x1  }
0x8a: {  	s1 =	srdreg.scid  }
0x8b: {  	s0 =	sand.u32 $0x1, s1  }
0x8c: {  	s17 =	sshll.u32 s0, $0xA;
	s2 =	sadd.s32 s3, s2  }
0x8d: {  	s2 =	sadd.s32 s2, s17  }
0x8e: {  	[smem:$0x3FC6] =	sst s2  }
0x8f: {  	_ = 	snop  }
0x90: {  	s2 =	sld [smem:$0x3FD0];
	(tm) =	ssettm $0x1  }
0x91: {  	s18 =	sld [smem:$0x3FFB];
	_ =	sdelay $0x3  }
0x92: {  	_ =	strace s18  }
0x93: {  	s3 =	sld [smem:$0x3FFC];
	_ =	sdelay $0x3  }
0x94: {  	_ =	strace s3  }
0x95: {  	s3 =	sld [smem:$0x3FFD];
	_ =	sdelay $0x3  }
0x96: {  	_ =	strace s3  }
0x97: {  	_ =	strace $0x8FFFFFFF  }
0x98: {  	s19 =	sld [smem:$0x3FDB];
	_ =	sdelay $0x1  }
0x99: {  	s4 =	simm.s32 $_scs_section_size  }
0x9a: {  	s5 =	simm.s32 $_size__tile_overlayer_lowered;
	s6 =	simm.s32 $_tile_overlayer_lowered  }
0x9b: {  	s22 =	simm.s32 $0x1BFF;
	s21 =	sshll.u32 s6, $0x1;
	s3 =	sadd.s32 s4, s19  }
0x9c: {  	s7 =	simm.s32 $0x0;
	s20 =	sshll.u32 s5, $0x1;
	s5 =	sadd.s32 s21, s3  }
0x9d: {  	[timem:s7], [sflag:s22] =	dma.local [hbm:s5], s20  }
0x9e: {  	_ =	swait.ge [sflag:s22], s20  }
0x9f: {  	s4 =	ssub.s32 $0x0, s20;
	[sflag:s22] =	ssyncset.done $0x0  }
0xa0: {  	[sflag:s22] =	ssyncadd.s32 s4;
	_ =	sdelay $0x1  }
0xa1: {  	s23 =	simm.s32 $0x1B8B  }
0xa2: {  	_ =	swait.ge [sflag:s23], $0x1  }
0xa3: {  	[sflag:s23] =	ssyncset.done $0x0  }
0xa4: {  	s25 =	simm.s32 $0x1B8E;
	s24 =	sld [smem:$0x3FFE];
	[sflag:s23] =	ssyncadd.s32 $0xFFFFFFFF  }
0xa5: {  	s26 =	simm.s32 $execute0_lowered;
	[smem:$0x3FD2] =	sst s25  }
0xa6: {  	s5 =	sshll.u32 s26, $0x1;
	_ =	strace $0x80000046;
	[dreg:$0x1] =	wrdreg $0xFFFFFFFF  }
0xa7: {  	s28 =	simm.s32 $_size_execute0_lowered;
	s3 =	sadd.s32 s3, s5;
	[dreg:$0x0] =	wrdreg $0x0  }
0xa8: {  	s5 =	sshll.u32 s28, $0x1;
	[dreg:$0x2] =	wrdreg s3  }
0xa9: {  	[dreg:$0x3] =	wrdreg s5  }
0xaa: {  	[dreg:$0x4] =	wrdreg $0xC0  }
0xab: {  	_ =	task [dreg:s7], $0x5FFFF  }
0xac: {  	[dreg:$0x1] =	wrdreg $0xFFFFFFFF  }
0xad: {  	[dreg:$0x0] =	wrdreg $0x60  }
0xae: {  	[dreg:$0x2] =	wrdreg s24  }
0xaf: {  	[dreg:$0x3] =	wrdreg s2  }
0xb0: {  	[dreg:$0x4] =	wrdreg $0x9  }
0xb1: {  	_ =	task.clear_ibuf [dreg:s7], $0x5FFFF;
	_ =	strace $0x90000046  }
0xb2: {  	s29 =	simm.s32 $0x9;
	_ =	strace $0x80000048  }
0xb3: {  	_ =	swait.ge [sflag:s29], $0x1  }
0xb4: {  	[sflag:s29] =	ssyncadd.s32 $0xFFFFFFFF  }
0xb5: {  	_ =	strace $0x90000048  }
0xb6: {  	_ =	sfence  }
0xb7: {  	s30 =	sld [smem:$0x0];
	_ =	sdelay $0x2  }
0xb8: {  	s31 =	sshll.u32 s1, $0xD;
	s1 =	sshrl.u32 s1, $0x2  }
0xb9: {  	s3 =	sand.u32 $0x4000, s31;
	s1 =	sadd.s32 s1, s30  }
0xba: {  	s0 =	sor.u32 s3, s0;
	s1 =	sshll.u32 s1, $0x11  }
0xbb: {  	s0 =	sor.u32 s1, s0  }
0xbc: {  	s0 =	sadd.s32 $0x8F2B, s0  }
0xbd: {  	[sflag:s0] =	ssyncadd.remote.s32 $0x1  }
0xbe: {  	_ =	sfence.sel $0xFFFF  }
0xbf: {  	[dreg:$0x0] =	wrdreg $0xFFFFFFFF;
	(pc) =	sbr.abs _section_cstart, $3  }
0xc0: {  	[dreg:$0x1] =	wrdreg $0xFFFFFFFF  }
0xc1: {  	_ =	task.clear_ibuf [dreg:s7], $0x2FFFF;
	_ =	strace $0x9FFFFFFF  }
0xc2: {  	(tm) =	ssettm $0x7FFFFFFF  }
0xc3: {  	_ =	shalt  }
tec
execute0_lowered:
.L_overlay_start_1:
0x0: {  	(tag) =	ssettag $0x1  }
0x1: {  	s0 =	rddreg [dreg:$0x0]  }
0x2: {  	s1 =	rddreg [dreg:$0x1];
	s3 =	simm.s32 $0x0  }
0x3: {  	s4 =	srdreg.scid;
	[smem:$0x7FF] =	sst s3  }
0x4: {  	s2 =	stileid.u32;
	v0 =	vimm.f32 $3.000000000e+00;
	s14 =	simm.s32 $0x1;
	_ =	strace $0x80000047  }
0x5: {  	s15 =	simm.s32 $0x1000;
	s16 =	simm.s32 $0x2000;
	s17 =	simm.s32 $0x3180;
	(erf) = vrcp.f32 v0  }
0x6: {  	s18 =	simm.s32 $0x3200;
	s19 =	simm.s32 $0x3280;
	s20 =	simm.s32 $0x3000  }
0x7: {  	s21 =	simm.s32 $0x3080;
	s22 =	simm.s32 $0x3100;
	s23 =	simm.s32 $0x3300  }
0x8: {  	s24 =	simm.s32 $0x3380;
	s25 =	simm.s32 $0x3400;
	s6 =	sand.u32 $0x1, s4  }
0x9: {  	s30 =	sshll.u32 s2, $0x8;
	s5 =	sshll.u32 s6, $0x7;
	s8 =	ssub.s32 $0x2, s6  }
0xa: {  	s26 =	simm.s32 $0x0;
	s4 =	sor.u32 s5, s30;
	s31 =	sshrl.u32 s8, $0x1  }
0xb: {  	s6 =	sadd.s32 $0xE00, s0;
	s7 =	sshrl.u32 s4, $0x3;
	s13 =	ssub.s32 s8, s31  }
0xc: {  	s5 =	sadd.s32 $0x1000, s0;
	s0 =	sadd.s32 s7, s0;
	s13 =	smax.u32 s13, $0x1  }
0xd: {  	s7 =	sadd.s32 $0x1600, s0;
	s8 =	sadd.s32 $0x1400, s0;
	s9 =	sadd.s32 $0x1200, s0  }
0xe: {  	v1 =	vlaneseq.u32;
	s10 =	sadd.s32 $0x1800, s0;
	s11 =	sadd.s32 $0x1A00, s0;
	s12 =	sadd.s32 $0x1C00, s0;
	v0 =	vpop (erf)  }
.LBB2_1:
0xf: {  	[tilespmem:s3], [sflag:$0x1] =	stream.linear.gather [hbm4b:s5+s3], $0x1000, $0x38;
	[tilespmem:$0x3480] =	vst v63  }
0x10: {  	_ =	swait.ge [sflag:s14], $0x1000  }
0x11: {  	[sflag:s14] =	ssyncset.done $0x0  }
0x12: {  	[sflag:s14] =	ssyncadd.s32 $0xFFFFF000  }
0x13: {  	[tilespmem:s15], [sflag:$0x1] =	stream.linear.gather [hbm4b:s6+s3], $0x1000, $0x38;
	[tilespmem:$0x3480] =	vst v63  }
0x14: {  	_ =	swait.ge [sflag:s14], $0x1000  }
0x15: {  	[sflag:s14] =	ssyncset.done $0x0  }
0x16: {  	[sflag:s14] =	ssyncadd.s32 $0xFFFFF000  }
0x17: {  	[tilespmem:s16], [sflag:$0x1] =	stream.linear.gather [hbm4b:s1+s3], $0x1000, $0x38;
	[tilespmem:$0x3480] =	vst v63  }
0x18: {  	_ =	swait.ge [sflag:s14], $0x1000  }
0x19: {  	[sflag:s14] =	ssyncset.done $0x0  }
0x1a: {  	[sflag:s14] =	ssyncadd.s32 $0xFFFFF000  }
0x1b: {  	[tilespmem:s17], [sflag:$0x1] =	stream.linear.gather [hbm4b:s7+s3], $0x80, $0x38;
	[tilespmem:$0x3480] =	vst v63  }
0x1c: {  	_ =	swait.ge [sflag:s14], $0x80  }
0x1d: {  	[sflag:s14] =	ssyncset.done $0x0  }
0x1e: {  	[sflag:s14] =	ssyncadd.s32 $0xFFFFFF80  }
0x1f: {  	[tilespmem:s18], [sflag:$0x1] =	stream.linear.gather [hbm4b:s8+s3], $0x80, $0x38;
	[tilespmem:$0x3480] =	vst v63  }
0x20: {  	_ =	swait.ge [sflag:s14], $0x80  }
0x21: {  	[sflag:s14] =	ssyncset.done $0x0  }
0x22: {  	[sflag:s14] =	ssyncadd.s32 $0xFFFFFF80  }
0x23: {  	[tilespmem:s19], [sflag:$0x1] =	stream.linear.gather [hbm4b:s9+s3], $0x80, $0x38;
	[tilespmem:$0x3480] =	vst v63  }
0x24: {  	_ =	swait.ge [sflag:s14], $0x80  }
0x25: {  	[sflag:s14] =	ssyncset.done $0x0  }
0x26: {  	s28 =	simm.s32 $0x0;
	[sflag:s14] =	ssyncadd.s32 $0xFFFFFF80  }
.LBB2_2:
0x27: {  	s30 =	sshll.u32 s28, $0x1  }
0x28: {  	s29 =	sshllo.u32 s28, $0x1;
	s0 =	sor.u32 s4, s30  }
0x29: {  	v2 =	vmov s0;
	s0 =	sor.u32 s4, s29  }
0x2a: {  	v3 =	vmov s0  }
0x2b: {  	v2 =	vand.u32 $0xFFFFFFFE, v2  }
0x2c: {  	v2 =	vbroadcast v2, $0x0;
	_ =	sdelay $0x1  }
0x2d: {  	s31 =	simm.s32 $0x0  }
0x2e: {  	v5 =	vld.idx.msk [tilespmem:v3+s31+$0x0], $0xffff  }
0x2f: {  	v8 =	vld.idx.msk [tilespmem:v3+s15+$0x0], $0xffff  }
0x30: {  	v9 =	vld.idx.msk [tilespmem:v3+s16+$0x0], $0xffff  }
0x31: {  	v4 =	vld.idx.msk [tilespmem:v2+s31+$0x0], $0xffff  }
0x32: {  	v10 =	vimm.f32 $+Inf;
	v6 =	vld.idx.msk [tilespmem:v2+s15+$0x0], $0xffff  }
0x33: {  	v11 =	vimm.f32 $+Inf;
	v12 =	vimm.f32 $+Inf;
	v7 =	vld.idx.msk [tilespmem:v2+s16+$0x0], $0xffff;
	[tilespmem:v2+s31+$0x0] =	vst.idx.msk $0x1, v10  }
0x34: {  	v13 =	vimm.f32 $+Inf;
	v14 =	vimm.f32 $+Inf;
	v15 =	vimm.f32 $+Inf;
	[tilespmem:v3+s31+$0x0] =	vst.idx.msk $0x1, v10  }
.LBB2_3:
0x35: {  	s0 =	sshra.s32 s31, $0x2  }
0x36: {  	v16 =	vld [tilespmem:s0+$0x0]  }
0x37: {  	v17 =	vld [tilespmem:s0+$0x1000]  }
0x38: {  	v18 =	vld [tilespmem:s0+$0x2000]  }
0x39: {  	v22 =	vld [tilespmem:s0+$0x10]  }
0x3a: {  	v23 =	vld [tilespmem:s0+$0x1010]  }
0x3b: {  	v28 =	vld [tilespmem:s0+$0x2010]  }
0x3c: {  	v25 =	vld [tilespmem:s0+$0x20]  }
0x3d: {  	v35 =	vld [tilespmem:s0+$0x1020]  }
0x3e: {  	v36 =	vld [tilespmem:s0+$0x2020];
	v19 =	vsub.f32 v4, v16;
	v20 =	vsub.f32 v6, v17  }
0x3f: {  	v26 =	vld [tilespmem:s0+$0x30];
	v16 =	vsub.f32 v5, v16;
	v17 =	vsub.f32 v8, v17  }
0x40: {  	v47 =	vld [tilespmem:s0+$0x1030];
	v21 =	vsub.f32 v7, v18;
	v18 =	vsub.f32 v9, v18  }
0x41: {  	v49 =	vld [tilespmem:s0+$0x2030];
	v30 =	vsub.f32 v4, v22;
	v31 =	vsub.f32 v6, v23  }
0x42: {  	v54 =	vld [tilespmem:s0+$0x40];
	v32 =	vsub.f32 v7, v28;
	v22 =	vsub.f32 v5, v22  }
0x43: {  	v55 =	vld [tilespmem:s0+$0x1040];
	v23 =	vsub.f32 v8, v23;
	v39 =	vsub.f32 v4, v25  }
0x44: {  	v40 =	vsub.f32 v6, v35;
	v42 =	vsub.f32 v7, v36  }
0x45: {  	v43 =	vsub.f32 v5, v25;
	v50 =	vsub.f32 v4, v26  }
0x46: {  	v51 =	vsub.f32 v6, v47;
	v52 =	vsub.f32 v8, v47  }
0x47: {  	v53 =	vsub.f32 v7, v49;
	v59 =	vsub.f32 v4, v54  }
0x48: {  	v60 =	vsub.f32 v6, v55;
	v19 =	vmul.f32 v19, v19;
	v20 =	vmul.f32 v20, v20  }
0x49: {  	v61 =	vsub.f32 v5, v54;
	v16 =	vmul.f32 v16, v16;
	v17 =	vmul.f32 v17, v17  }
0x4a: {  	v62 =	vsub.f32 v8, v55;
	v27 =	vmul.f32 v21, v21;
	v33 =	vmul.f32 v22, v22  }
0x4b: {  	v21 =	vsub.f32 v9, v28;
	v34 =	vmul.f32 v23, v23;
	v45 =	vmul.f32 v43, v43  }
0x4c: {  	v23 =	vsub.f32 v8, v35;
	v22 =	vmul.f32 v52, v52;
	v56 =	vmul.f32 v53, v53  }
0x4d: {  	v19 =	vadd.f32 v20, v19;
	v16 =	vadd.f32 v17, v16;
	v17 =	vmul.f32 v18, v18  }
0x4e: {  	v20 =	vmul.f32 v31, v31;
	v18 =	vmul.f32 v32, v32;
	v37 =	vadd.f32 v34, v33  }
0x4f: {  	v38 =	vmul.f32 v21, v21;
	v21 =	vmul.f32 v42, v42;
	v31 =	vld [tilespmem:s0+$0x1050];
	v29 =	vadd.f32 v27, v19  }
0x50: {  	v46 =	vmul.f32 v23, v23;
	v16 =	vadd.f32 v17, v16;
	v19 =	vmul.f32 v30, v30  }
0x51: {  	v30 =	vmul.f32 v62, v62;
	v17 =	vmin.f32 v15, v29;
	v15 =	vmax.f32 v15, v29  }
0x52: {  	v19 =	vadd.f32 v20, v19;
	v20 =	vmul.f32 v51, v51;
	v29 =	vmul.f32 v61, v61  }
0x53: {  	v33 =	vld [tilespmem:s0+$0x2050];
	v24 =	vmax.f32 v14, v15;
	v14 =	vmin.f32 v14, v15;
	v15 =	vmax.f32 v12, v16  }
0x54: {  	v12 =	vmin.f32 v12, v16;
	v23 =	vsub.f32 v8, v31;
	v13 =	vmin.f32 v13, v24  }
0x55: {  	v28 =	vld [tilespmem:s0+$0x50];
	v18 =	vadd.f32 v18, v19;
	v16 =	vmin.f32 v11, v15;
	v11 =	vmax.f32 v11, v15  }
0x56: {  	v19 =	vmul.f32 v40, v40;
	v24 =	vsub.f32 v9, v36;
	v34 =	vadd.f32 v30, v29  }
0x57: {  	v36 =	vsub.f32 v6, v31;
	v10 =	vmin.f32 v10, v11;
	v11 =	vadd.f32 v38, v37  }
0x58: {  	v38 =	vsub.f32 v7, v33;
	v43 =	vmul.f32 v23, v23;
	v15 =	vmin.f32 v17, v18  }
0x59: {  	v17 =	vmax.f32 v17, v18;
	v18 =	vmul.f32 v39, v39;
	v48 =	vmul.f32 v24, v24  }
0x5a: {  	v39 =	vsub.f32 v5, v28;
	v24 =	vsub.f32 v9, v33;
	v41 =	vmax.f32 v14, v17  }
0x5b: {  	v44 =	vmax.f32 v12, v11;
	v14 =	vmin.f32 v14, v17;
	v18 =	vadd.f32 v19, v18  }
0x5c: {  	v11 =	vmin.f32 v12, v11;
	v13 =	vmin.f32 v13, v41;
	v19 =	vadd.f32 v46, v45  }
0x5d: {  	v17 =	vmax.f32 v16, v44;
	v12 =	vmin.f32 v16, v44;
	v18 =	vadd.f32 v21, v18  }
0x5e: {  	v10 =	vmin.f32 v10, v17;
	v16 =	vadd.f32 v48, v19;
	v19 =	vmul.f32 v50, v50  }
0x5f: {  	v41 =	vld [tilespmem:s0+$0x60];
	v21 =	vsub.f32 v9, v49;
	v17 =	vmin.f32 v15, v18;
	v15 =	vmax.f32 v15, v18  }
0x60: {  	v18 =	vmin.f32 v14, v15;
	v14 =	vmax.f32 v14, v15;
	v15 =	vsub.f32 v5, v26  }
0x61: {  	v57 =	vld [tilespmem:s0+$0x2040];
	v42 =	vmul.f32 v39, v39;
	v13 =	vmin.f32 v13, v14;
	v14 =	vadd.f32 v20, v19  }
0x62: {  	v44 =	vld [tilespmem:s0+$0x1060];
	v58 =	vmax.f32 v11, v16;
	v21 =	vmul.f32 v21, v21;
	v15 =	vmul.f32 v15, v15  }
0x63: {  	v46 =	vld [tilespmem:s0+$0x2060];
	v11 =	vmin.f32 v11, v16;
	v16 =	vmax.f32 v12, v58;
	v14 =	vadd.f32 v56, v14  }
0x64: {  	v52 =	vld [tilespmem:s0+$0x1070];
	v47 =	vsub.f32 v4, v41;
	v10 =	vmin.f32 v10, v16;
	v15 =	vadd.f32 v22, v15  }
0x65: {  	v55 =	vld [tilespmem:s0+$0x2070];
	v19 =	vmul.f32 v59, v59;
	v16 =	vmin.f32 v17, v14;
	v14 =	vmax.f32 v17, v14  }
0x66: {  	v51 =	vld [tilespmem:s0+$0x70];
	v17 =	vsub.f32 v7, v57;
	v15 =	vadd.f32 v21, v15;
	v21 =	vmul.f32 v60, v60  }
0x67: {  	v45 =	vmul.f32 v24, v24;
	v48 =	vsub.f32 v6, v44;
	v49 =	vsub.f32 v8, v44  }
0x68: {  	v50 =	vsub.f32 v7, v46;
	v17 =	vmul.f32 v17, v17;
	v19 =	vadd.f32 v21, v19  }
0x69: {  	v12 =	vmin.f32 v12, v58;
	v58 =	vsub.f32 v8, v52;
	v20 =	vsub.f32 v9, v57  }
0x6a: {  	v59 =	vsub.f32 v7, v55;
	v53 =	vmul.f32 v50, v50;
	v17 =	vadd.f32 v17, v19  }
0x6b: {  	v20 =	vmul.f32 v20, v20;
	v56 =	vsub.f32 v4, v51;
	v32 =	vmax.f32 v11, v15  }
0x6c: {  	v35 =	vmin.f32 v16, v17;
	v16 =	vmax.f32 v16, v17;
	v17 =	vsub.f32 v4, v28  }
0x6d: {  	v22 =	vmul.f32 v49, v49;
	v11 =	vmin.f32 v11, v15;
	v15 =	vmin.f32 v12, v32  }
0x6e: {  	v12 =	vmax.f32 v12, v32;
	v19 =	vmul.f32 v36, v36;
	v17 =	vmul.f32 v17, v17  }
0x6f: {  	v63 =	vmax.f32 v18, v14;
	v10 =	vmin.f32 v10, v12;
	v12 =	vadd.f32 v20, v34  }
0x70: {  	v14 =	vmin.f32 v18, v14;
	v21 =	vmul.f32 v38, v38;
	v17 =	vadd.f32 v19, v17  }
0x71: {  	v13 =	vmin.f32 v13, v63;
	v40 =	vmax.f32 v11, v12;
	v37 =	vmax.f32 v14, v16  }
0x72: {  	v14 =	vmin.f32 v14, v16;
	v16 =	vmax.f32 v15, v40;
	v17 =	vadd.f32 v21, v17  }
0x73: {  	v20 =	vmul.f32 v48, v48;
	v11 =	vmin.f32 v11, v12;
	v10 =	vmin.f32 v10, v16  }
0x74: {  	v19 =	vadd.f32 v43, v42;
	v16 =	vmin.f32 v35, v17;
	v17 =	vmax.f32 v35, v17  }
0x75: {  	v18 =	vmin.f32 v14, v17;
	v14 =	vmax.f32 v14, v17;
	v17 =	vsub.f32 v5, v41  }
0x76: {  	v12 =	vmin.f32 v15, v40;
	v15 =	vadd.f32 v45, v19;
	v19 =	vmul.f32 v47, v47  }
0x77: {  	v13 =	vmin.f32 v13, v37;
	v21 =	vsub.f32 v9, v46;
	v17 =	vmul.f32 v17, v17  }
0x78: {  	v23 =	vmul.f32 v59, v59;
	v13 =	vmin.f32 v13, v14;
	v14 =	vadd.f32 v20, v19  }
0x79: {  	v54 =	vmax.f32 v11, v15;
	v21 =	vmul.f32 v21, v21;
	v17 =	vadd.f32 v22, v17  }
0x7a: {  	v11 =	vmin.f32 v11, v15;
	v15 =	vmax.f32 v12, v54;
	v14 =	vadd.f32 v53, v14  }
0x7b: {  	v57 =	vsub.f32 v6, v52;
	v10 =	vmin.f32 v10, v15;
	v15 =	vadd.f32 v21, v17  }
0x7c: {  	v17 =	vmin.f32 v16, v14;
	v14 =	vmax.f32 v16, v14;
	v16 =	vsub.f32 v5, v51  }
0x7d: {  	v19 =	vmul.f32 v56, v56;
	v20 =	vmul.f32 v57, v57;
	v22 =	vsub.f32 v9, v55  }
0x7e: {  	v21 =	vmul.f32 v58, v58;
	v16 =	vmul.f32 v16, v16  }
0x7f: {  	v12 =	vmin.f32 v12, v54;
	v19 =	vadd.f32 v20, v19;
	v61 =	vmul.f32 v22, v22  }
0x80: {  	v60 =	vmin.f32 v18, v14;
	v14 =	vmax.f32 v18, v14;
	v16 =	vadd.f32 v21, v16  }
0x81: {  	p0 =	sne.s32 s31, $0x3E00;
	v19 =	vadd.f32 v23, v19;
	v13 =	vmin.f32 v13, v14;
	v14 =	vmax.f32 v11, v15  }
.Ltmp0:
0x82: {  	v11 =	vmin.f32 v11, v15;
	v15 =	vmax.f32 v12, v14;
	v16 =	vadd.f32 v61, v16;
	(pc) =	sbr.rel @p0 .LBB2_3-.Ltmp0, $4  }
0x83: {  	v62 =	vmin.f32 v12, v14;
	v12 =	vmax.f32 v17, v19;
	v10 =	vmin.f32 v10, v15  }
0x84: {  	v15 =	vmin.f32 v17, v19;
	v17 =	vmax.f32 v60, v12;
	v63 =	vmax.f32 v11, v16  }
0x85: {  	v14 =	vmin.f32 v60, v12;
	v13 =	vmin.f32 v13, v17;
	v17 =	vmax.f32 v62, v63  }
0x86: {  	s31 =	sadd.s32 $0x200, s31;
	v12 =	vmin.f32 v11, v16;
	v11 =	vmin.f32 v62, v63;
	v10 =	vmin.f32 v10, v17  }
0x87: {  	v16 =	vsub.f32 v4, v5;
	v6 =	vsub.f32 v6, v8;
	_ =	sdelay $0x1  }
0x88: {  	v7 =	vsub.f32 v7, v9;
	v48 =	vmul.f32 v16, v16;
	v6 =	vmul.f32 v6, v6;
	_ =	sdelay $0x1  }
0x89: {  	v7 =	vmul.f32 v7, v7;
	v6 =	vadd.f32 v6, v48;
	_ =	sdelay $0x1  }
0x8a: {  	v6 =	vadd.f32 v7, v6;
	_ =	sdelay $0x1  }
0x8b: {  	vm0 =	vmmov $0x1;
	v7 =	vmin.f32 v15, v6  }
0x8c: {  	v7 =	vsel vm0, v7, v15  }
0x8d: {  	(xrf0) =	vmin.scan.msk.f32 $0xffff, v7;
	_ =	sdelay $0x5  }
0x8e: {  	v49, _, _ =	vpop (xrf0)  }
0x8f: {  	v8 =	vbroadcast v49, $0xF;
	_ =	sdelay $0x1  }
0x90: {  	vm1 =	veq.f32 v7, v8  }
0x91: {  	v50 =	vmax.f32 v15, v6;
	v51 =	vmctz.xlane vm1  }
0x92: {  	v52 =	vmin.f32 v14, v50  }
0x93: {  	v16 =	vsel vm0, v52, v14;
	vm1 =	veq.s32 v51, v1  }
0x94: {  	v7 =	vsel vm1, v16, v7  }
0x95: {  	(xrf0) =	vmin.scan.msk.f32 $0xffff, v7;
	_ =	sdelay $0x5  }
0x96: {  	v53, _, _ =	vpop (xrf0)  }
0x97: {  	v15 =	vbroadcast v53, $0xF;
	_ =	sdelay $0x1  }
0x98: {  	v9 =	vmax.f32 v14, v50;
	vm2 =	veq.f32 v7, v15  }
0x99: {  	v9 =	vmin.f32 v13, v9;
	v54 =	vmctz.xlane vm2  }
0x9a: {  	v9 =	vsel vm0, v9, v13  }
0x9b: {  	v9 =	vsel vm1, v9, v16;
	vm12 =	veq.s32 v54, v1  }
0x9c: {  	v55 =	vmin.f32 v12, v6;
	v7 =	vsel vm12, v9, v7  }
0x9d: {  	v56 =	vsel vm0, v55, v12;
	(xrf0) =	vmin.scan.msk.f32 $0xffff, v7  }
0x9e: {  	(xrf0) =	vmin.scan.msk.f32 $0xffff, v56;
	_ =	sdelay $0x4  }
0x9f: {  	v7, _, _ =	vpop (xrf0)  }
0xa0: {  	v57, _, _ =	vpop (xrf0)  }
0xa1: {  	v13 =	vbroadcast v57, $0xF;
	_ =	sdelay $0x1  }
0xa2: {  	vm13 =	veq.f32 v56, v13  }
0xa3: {  	v6 =	vmax.f32 v12, v6;
	v58 =	vmctz.xlane vm13  }
0xa4: {  	v59 =	vmin.f32 v11, v6  }
0xa5: {  	v14 =	vsel vm0, v59, v11;
	vm1 =	veq.s32 v58, v1  }
0xa6: {  	v9 =	vsel vm1, v14, v56  }
0xa7: {  	(xrf0) =	vmin.scan.msk.f32 $0xffff, v9;
	_ =	sdelay $0x5  }
0xa8: {  	v60, _, _ =	vpop (xrf0)  }
0xa9: {  	v12 =	vbroadcast v60, $0xF;
	_ =	sdelay $0x1  }
0xaa: {  	v6 =	vmax.f32 v11, v6;
	vm14 =	veq.f32 v9, v12  }
0xab: {  	v62 =	vmov s30;
	v6 =	vmin.f32 v10, v6;
	v61 =	vmctz.xlane vm14  }
0xac: {  	v63 =	vand.u32 $0xFFFFFFFE, v62;
	v6 =	vsel vm0, v6, v10  }
0xad: {  	v10 =	vbroadcast v63, $0x0;
	v6 =	vsel vm1, v6, v14;
	vm15 =	veq.s32 v61, v1  }
0xae: {  	v6 =	vsel vm15, v6, v9  }
0xaf: {  	(xrf0) =	vmin.scan.msk.f32 $0xffff, v6  }
0xb0: {  	[tilespmem:v2+s3+$0x0] =	vst.idx.msk $0x1, v4  }
0xb1: {  	v2 =	vmov s29;
	[tilespmem:v3+s3+$0x0] =	vst.idx.msk $0x1, v5;
	v3 =	vbroadcast v7, $0xF  }
0xb2: {  	s28 =	sadd.s32 $0x1, s28  }
0xb3: {  	p0 =	sne.s32 s28, $0x40;
	[tilespmem:v10+s20+$0x0] =	vst.idx.msk $0x1, v8  }
.Ltmp1:
0xb4: {  	[tilespmem:v10+s21+$0x0] =	vst.idx.msk $0x1, v15;
	(pc) =	sbr.rel @p0 .LBB2_2-.Ltmp1, $4  }
0xb5: {  	[tilespmem:v10+s22+$0x0] =	vst.idx.msk $0x1, v3;
	v3, _, _ =	vpop (xrf0)  }
0xb6: {  	[tilespmem:v2+s20+$0x0] =	vst.idx.msk $0x1, v13;
	v3 =	vbroadcast v3, $0xF  }
0xb7: {  	[tilespmem:v2+s21+$0x0] =	vst.idx.msk $0x1, v12  }
0xb8: {  	[tilespmem:v2+s22+$0x0] =	vst.idx.msk $0x1, v3  }
0xb9: {  	v2 =	vld [tilespmem:$0x3000];
	_ =	sdelay $0x1  }
0xba: {  	v5 =	vld [tilespmem:$0x3080]  }
0xbb: {  	v10 =	vld [tilespmem:$0x3100];
	_ =	sdelay $0x1  }
0xbc: {  	v3 =	vshra.s32 v2, $0x1;
	v4 =	vmul.f32 $5.000000000e-01, v2  }
0xbd: {  	v3 =	vsub.s32 $0x5F3759DF, v3  }
0xbe: {  	v6 =	vmul.f32 v3, v4  }
0xbf: {  	v7 =	vshra.s32 v5, $0x1;
	v11 =	vshra.s32 v10, $0x1;
	v12 =	vmul.f32 $5.000000000e-01, v10  }
0xc0: {  	v63 =	vld [tilespmem:$0x3010];
	v8 =	vmul.f32 $5.000000000e-01, v5;
	v11 =	vsub.s32 $0x5F3759DF, v11;
	v6 =	vmul.f32 v3, v6  }
0xc1: {  	v17 =	vld [tilespmem:$0x3090];
	v7 =	vsub.s32 $0x5F3759DF, v7;
	v14 =	vmul.f32 v11, v12  }
0xc2: {  	v18 =	vld [tilespmem:$0x3110];
	v62 =	vmul.f32 v7, v8;
	v6 =	vsub.f32 $1.500000000e+00, v6  }
0xc3: {  	v14 =	vmul.f32 v11, v14  }
0xc4: {  	v3 =	vmul.f32 v3, v6;
	v6 =	vmul.f32 v7, v62  }
0xc5: {  	v16 =	vmul.f32 $5.000000000e-01, v63;
	v14 =	vsub.f32 $1.500000000e+00, v14  }
0xc6: {  	v19 =	vmul.f32 $5.000000000e-01, v17;
	v9 =	vmul.f32 v3, v4;
	v6 =	vsub.f32 $1.500000000e+00, v6  }
0xc7: {  	v15 =	vshra.s32 v63, $0x1;
	v23 =	vmul.f32 $5.000000000e-01, v18;
	v11 =	vmul.f32 v11, v14  }
0xc8: {  	v22 =	vshra.s32 v18, $0x1;
	v9 =	vmul.f32 v9, v3;
	v6 =	vmul.f32 v7, v6  }
0xc9: {  	v24 =	vsub.s32 $0x5F3759DF, v15;
	v28 =	vsub.s32 $0x5F3759DF, v22;
	v20 =	vmul.f32 v11, v12  }
0xca: {  	v15 =	vmul.f32 v24, v16;
	v9 =	vsub.f32 $1.500000000e+00, v9;
	v7 =	vmul.f32 v6, v8  }
0xcb: {  	v22 =	vmul.f32 v28, v23;
	v20 =	vmul.f32 v20, v11  }
0xcc: {  	v27 =	vshra.s32 v17, $0x1;
	v3 =	vmul.f32 v9, v3;
	v7 =	vmul.f32 v7, v6  }
0xcd: {  	v26 =	vmul.f32 v24, v15;
	v15 =	vsub.s32 $0x5F3759DF, v27;
	v20 =	vsub.f32 $1.500000000e+00, v20  }
0xce: {  	v30 =	vmul.f32 v28, v22;
	v13 =	vmul.f32 v3, v4;
	v7 =	vsub.f32 $1.500000000e+00, v7  }
0xcf: {  	v21 =	vmul.f32 v15, v19;
	v14 =	vsub.f32 $1.500000000e+00, v26;
	v11 =	vmul.f32 v20, v11  }
0xd0: {  	v13 =	vmul.f32 v13, v3;
	v6 =	vmul.f32 v7, v6  }
0xd1: {  	v32 =	vsub.f32 $1.500000000e+00, v30;
	v21 =	vmul.f32 v15, v21;
	v7 =	vmul.f32 v24, v14  }
0xd2: {  	v33 =	vmul.f32 v11, v12;
	v13 =	vsub.f32 $1.500000000e+00, v13;
	v25 =	vmul.f32 v6, v8  }
0xd3: {  	v14 =	vmul.f32 v28, v32;
	v24 =	vmul.f32 v7, v16  }
0xd4: {  	v3 =	vmul.f32 v13, v3;
	v13 =	vmul.f32 v25, v6  }
0xd5: {  	v37 =	vmul.f32 v14, v23;
	v31 =	vmul.f32 v24, v7  }
0xd6: {  	v29 =	vsub.f32 $1.500000000e+00, v21;
	v35 =	vmul.f32 v33, v11;
	v13 =	vsub.f32 $1.500000000e+00, v13  }
0xd7: {  	v40 =	vmul.f32 v37, v14;
	v4 =	vmul.f32 v3, v4;
	v20 =	vsub.f32 $1.500000000e+00, v31  }
0xd8: {  	v6 =	vmul.f32 v13, v6;
	v13 =	vmul.f32 v15, v29  }
0xd9: {  	v4 =	vmul.f32 v4, v3;
	v20 =	vmul.f32 v20, v7;
	v15 =	vsub.f32 $1.500000000e+00, v35  }
0xda: {  	v7 =	vld [tilespmem:$0x3020];
	v8 =	vmul.f32 v6, v8;
	v34 =	vmul.f32 v13, v19  }
0xdb: {  	v4 =	vsub.f32 $1.500000000e+00, v4;
	v38 =	vmul.f32 v20, v16;
	v11 =	vmul.f32 v15, v11  }
0xdc: {  	v42 =	vsub.f32 $1.500000000e+00, v40;
	v36 =	vmul.f32 v34, v13;
	v8 =	vmul.f32 v8, v6  }
0xdd: {  	v3 =	vmul.f32 v4, v3;
	v41 =	vmul.f32 v38, v20  }
0xde: {  	v22 =	vld [tilespmem:$0x3030];
	v43 =	vmul.f32 v11, v12;
	v4 =	vmul.f32 v42, v14  }
0xdf: {  	v47 =	vmul.f32 $5.000000000e-01, v7;
	v39 =	vsub.f32 $1.500000000e+00, v36;
	v8 =	vsub.f32 $1.500000000e+00, v8  }
0xe0: {  	v2 =	vmul.f32 v3, v2;
	v44 =	vsub.f32 $1.500000000e+00, v41;
	v14 =	vmul.f32 v4, v23  }
0xe1: {  	v3 =	vmul.f32 v39, v13;
	v6 =	vmul.f32 v8, v6  }
0xe2: {  	v8 =	vmul.f32 v43, v11;
	v12 =	vmul.f32 v44, v20  }
0xe3: {  	v14 =	vmul.f32 v14, v4;
	v44 =	vmul.f32 $5.000000000e-01, v22  }
0xe4: {  	v46 =	vshra.s32 v7, $0x1;
	v13 =	vmul.f32 v3, v19;
	v45 =	vmul.f32 v12, v16  }
0xe5: {  	v16 =	vsub.s32 $0x5F3759DF, v46;
	v5 =	vmul.f32 v6, v5;
	v49 =	vsub.f32 $1.500000000e+00, v14  }
0xe6: {  	v50 =	vsub.f32 $1.500000000e+00, v8;
	v48 =	vmul.f32 v16, v47;
	v13 =	vmul.f32 v13, v3  }
0xe7: {  	v43 =	vshra.s32 v22, $0x1;
	v15 =	vmul.f32 v45, v12;
	v4 =	vmul.f32 v49, v4  }
0xe8: {  	v8 =	vld [tilespmem:$0x30A0];
	v53 =	vmul.f32 v50, v11;
	v52 =	vmul.f32 v16, v48;
	v13 =	vsub.f32 $1.500000000e+00, v13  }
0xe9: {  	v2 =	vadd.f32 v5, v2;
	v51 =	vsub.f32 $1.500000000e+00, v15;
	v57 =	vmul.f32 v4, v23  }
0xea: {  	v58 =	vmul.f32 v53, v10;
	v55 =	vsub.f32 $1.500000000e+00, v52;
	v3 =	vmul.f32 v13, v3  }
0xeb: {  	v45 =	vsub.s32 $0x5F3759DF, v43;
	v54 =	vmul.f32 v51, v12;
	v61 =	vmul.f32 v57, v4  }
0xec: {  	v2 =	vadd.f32 v58, v2;
	v59 =	vmul.f32 v16, v55;
	v16 =	vmul.f32 v45, v44  }
0xed: {  	v26 =	vld [tilespmem:$0x3200];
	v62 =	vshra.s32 v8, $0x1;
	v9 =	vmul.f32 v54, v63;
	v63 =	vmul.f32 $5.000000000e-01, v8  }
0xee: {  	v30 =	vld [tilespmem:$0x3280];
	v25 =	vsub.s32 $0x5F3759DF, v62;
	v19 =	vmul.f32 v3, v19;
	v2 =	vmul.f32 v2, v0  }
0xef: {  	v12 =	vmul.f32 v59, v47;
	v13 =	vmul.f32 v25, v63  }
0xf0: {  	v24 =	vsub.f32 $1.500000000e+00, v61;
	v16 =	vmul.f32 v45, v16;
	v56 =	vmul.f32 v19, v3  }
0xf1: {  	v29 =	vmax.f32 v2, $9.999999740e-06;
	v12 =	vmul.f32 v12, v59;
	v28 =	vmul.f32 v25, v13;
	v13 =	vld [tilespmem:$0x3120]  }
0xf2: {  	v4 =	vmul.f32 v24, v4;
	v2 =	vmul.f32 v29, v26;
	v16 =	vsub.f32 $1.500000000e+00, v16  }
0xf3: {  	v21 =	vld [tilespmem:$0x3130];
	v5 =	vmul.f32 v29, v30;
	v60 =	vsub.f32 $1.500000000e+00, v56;
	v27 =	vsub.f32 $1.500000000e+00, v12  }
0xf4: {  	v23 =	vld [tilespmem:$0x3180];
	v4 =	vmul.f32 v4, v18;
	v12 =	vmul.f32 v45, v16;
	v31 =	vsub.f32 $1.500000000e+00, v28  }
0xf5: {  	v3 =	vmul.f32 v60, v3;
	v10 =	vmul.f32 v27, v59  }
0xf6: {  	v11 =	vmul.f32 v25, v31;
	v35 =	vshra.s32 v13, $0x1;
	v36 =	vmul.f32 $5.000000000e-01, v13  }
0xf7: {  	v3 =	vmul.f32 v3, v17;
	v33 =	vmul.f32 v10, v47;
	v39 =	vsub.s32 $0x5F3759DF, v35  }
0xf8: {  	v28 =	vshra.s32 v21, $0x1;
	v38 =	vmul.f32 v11, v63;
	v40 =	vmul.f32 v39, v36  }
0xf9: {  	v9 =	vadd.f32 v3, v9;
	v3 =	vmul.f32 v29, v23;
	v37 =	vmul.f32 v33, v10  }
0xfa: {  	v48 =	vsub.s32 $0x5F3759DF, v28;
	v19 =	vmul.f32 v38, v11;
	v41 =	vmul.f32 v39, v40  }
0xfb: {  	v29 =	vmul.f32 $5.000000000e-01, v21;
	v4 =	vadd.f32 v4, v9;
	v18 =	vsub.f32 $1.500000000e+00, v37  }
0xfc: {  	v49 =	vmul.f32 v12, v44;
	v42 =	vsub.f32 $1.500000000e+00, v19;
	v19 =	vld [tilespmem:$0x30B0];
	v9 =	vsub.f32 $1.500000000e+00, v41  }
0xfd: {  	v28 =	vmul.f32 v48, v29;
	v4 =	vmul.f32 v4, v0  }
0xfe: {  	v10 =	vmul.f32 v18, v10;
	v9 =	vmul.f32 v39, v9  }
0xff: {  	v32 =	vld [tilespmem:$0x3190];
	v28 =	vmul.f32 v48, v28;
	v11 =	vmul.f32 v42, v11  }
0x100: {  	v34 =	vld [tilespmem:$0x3210];
	v20 =	vmul.f32 v10, v47;
	v47 =	vmul.f32 v9, v36  }
0x101: {  	v46 =	vmul.f32 v11, v63;
	v25 =	vshra.s32 v19, $0x1;
	v26 =	vmul.f32 $5.000000000e-01, v19  }
0x102: {  	v17 =	vmax.f32 v4, $9.999999740e-06;
	v25 =	vsub.s32 $0x5F3759DF, v25;
	v24 =	vmul.f32 v47, v9  }
0x103: {  	v51 =	vsub.f32 $1.500000000e+00, v28;
	v23 =	vmul.f32 v46, v11;
	v27 =	vmul.f32 v25, v26  }
0x104: {  	v6 =	vmul.f32 v17, v32;
	v20 =	vmul.f32 v20, v10;
	v24 =	vsub.f32 $1.500000000e+00, v24  }
0x105: {  	v4 =	vmul.f32 v17, v34;
	v23 =	vsub.f32 $1.500000000e+00, v23;
	v27 =	vmul.f32 v25, v27  }
0x106: {  	v16 =	vmul.f32 v48, v51;
	v20 =	vsub.f32 $1.500000000e+00, v20;
	v9 =	vmul.f32 v24, v9  }
0x107: {  	v11 =	vmul.f32 v23, v11;
	v27 =	vsub.f32 $1.500000000e+00, v27;
	v24 =	vmul.f32 v49, v12  }
0x108: {  	v10 =	vmul.f32 v20, v10;
	v30 =	vmul.f32 v9, v36  }
0x109: {  	v14 =	vmul.f32 v11, v63;
	v50 =	vmul.f32 v25, v27;
	v24 =	vsub.f32 $1.500000000e+00, v24  }
0x10a: {  	v25 =	vmul.f32 v16, v29;
	v52 =	vmul.f32 v30, v9  }
0x10b: {  	v27 =	vmul.f32 v50, v26;
	v12 =	vmul.f32 v24, v12  }
0x10c: {  	v14 =	vmul.f32 v14, v11;
	v25 =	vmul.f32 v25, v16;
	v23 =	vsub.f32 $1.500000000e+00, v52  }
0x10d: {  	v53 =	vmul.f32 v27, v50;
	v54 =	vmul.f32 v12, v44  }
0x10e: {  	v7 =	vmul.f32 v10, v7;
	v56 =	vsub.f32 $1.500000000e+00, v25;
	v9 =	vmul.f32 v23, v9  }
0x10f: {  	v18 =	vld [tilespmem:$0x30C0];
	v14 =	vsub.f32 $1.500000000e+00, v14;
	v24 =	vsub.f32 $1.500000000e+00, v53;
	v23 =	vmul.f32 v54, v12  }
0x110: {  	v16 =	vmul.f32 v56, v16;
	v15 =	vmul.f32 v9, v36  }
0x111: {  	v11 =	vmul.f32 v14, v11;
	v55 =	vmul.f32 v24, v50;
	v23 =	vsub.f32 $1.500000000e+00, v23  }
0x112: {  	v61 =	vmul.f32 v16, v29;
	v57 =	vmul.f32 v15, v9  }
0x113: {  	v58 =	vmul.f32 v55, v26;
	v15 =	vld [tilespmem:$0x3040];
	v12 =	vmul.f32 v23, v12  }
0x114: {  	v8 =	vmul.f32 v11, v8;
	v36 =	vshra.s32 v18, $0x1;
	v28 =	vmul.f32 v61, v16  }
0x115: {  	v59 =	vsub.f32 $1.500000000e+00, v57;
	v60 =	vmul.f32 v58, v55;
	v62 =	vmul.f32 v12, v44  }
0x116: {  	v7 =	vadd.f32 v8, v7;
	v23 =	vmul.f32 $5.000000000e-01, v18;
	v31 =	vsub.f32 $1.500000000e+00, v28  }
0x117: {  	v9 =	vmul.f32 v59, v9;
	v63 =	vsub.f32 $1.500000000e+00, v60;
	v11 =	vmul.f32 v62, v12  }
0x118: {  	v14 =	vmul.f32 v31, v16;
	v16 =	vsub.s32 $0x5F3759DF, v36;
	v24 =	vmul.f32 $5.000000000e-01, v15  }
0x119: {  	v31 =	vld [tilespmem:$0x30D0];
	v30 =	vshra.s32 v15, $0x1;
	v39 =	vmul.f32 v16, v23;
	v10 =	vmul.f32 v63, v55  }
0x11a: {  	v32 =	vsub.s32 $0x5F3759DF, v30;
	v33 =	vmul.f32 v9, v13;
	v37 =	vmul.f32 v14, v29  }
0x11b: {  	v11 =	vsub.f32 $1.500000000e+00, v11;
	v34 =	vmul.f32 v32, v24;
	v43 =	vmul.f32 v16, v39  }
0x11c: {  	v35 =	vmul.f32 v10, v26;
	v7 =	vadd.f32 v33, v7;
	v41 =	vmul.f32 v37, v14  }
0x11d: {  	v11 =	vmul.f32 v11, v12;
	v9 =	vmul.f32 v32, v34;
	v8 =	vsub.f32 $1.500000000e+00, v43  }
0x11e: {  	v27 =	vmul.f32 $5.000000000e-01, v31;
	v13 =	vmul.f32 v35, v10;
	v45 =	vsub.f32 $1.500000000e+00, v41  }
0x11f: {  	v7 =	vmul.f32 v7, v0;
	v38 =	vsub.f32 $1.500000000e+00, v9;
	v49 =	vmul.f32 v16, v8;
	v16 =	vld [tilespmem:$0x3140]  }
0x120: {  	v11 =	vmul.f32 v11, v22;
	v40 =	vsub.f32 $1.500000000e+00, v13;
	v12 =	vmul.f32 v45, v14  }
0x121: {  	v42 =	vld [tilespmem:$0x3290];
	v20 =	vmul.f32 v32, v38;
	v53 =	vmul.f32 v49, v23  }
0x122: {  	v44 =	vld [tilespmem:$0x31A0];
	v10 =	vmul.f32 v40, v10;
	v50 =	vmul.f32 v12, v21  }
0x123: {  	v47 =	vmul.f32 v20, v24;
	v55 =	vmul.f32 v53, v49  }
0x124: {  	v46 =	vld [tilespmem:$0x3220];
	v10 =	vmul.f32 v10, v19;
	v57 =	vshra.s32 v16, $0x1;
	v21 =	vmul.f32 $5.000000000e-01, v16  }
0x125: {  	v51 =	vmax.f32 v7, $9.999999740e-06;
	v48 =	vmul.f32 v47, v20;
	v60 =	vsub.s32 $0x5F3759DF, v57  }
0x126: {  	v32 =	vld [tilespmem:$0x3150];
	v10 =	vadd.f32 v10, v11;
	v11 =	vsub.f32 $1.500000000e+00, v55;
	v61 =	vmul.f32 v60, v21  }
0x127: {  	v58 =	vld [tilespmem:$0x31B0];
	v8 =	vmul.f32 v17, v42;
	v9 =	vmul.f32 v51, v44;
	v14 =	vsub.f32 $1.500000000e+00, v48  }
0x128: {  	v62 =	vld [tilespmem:$0x3230];
	v10 =	vadd.f32 v50, v10;
	v19 =	vmul.f32 v11, v49;
	v12 =	vmul.f32 v60, v61  }
0x129: {  	v63 =	vld [tilespmem:$0x32B0];
	v43 =	vshra.s32 v31, $0x1;
	v7 =	vmul.f32 v51, v46;
	v54 =	vmul.f32 v14, v20  }
0x12a: {  	v20 =	vld [tilespmem:$0x3050];
	v56 =	vmul.f32 v10, v0;
	v37 =	vmul.f32 v19, v23;
	v12 =	vsub.f32 $1.500000000e+00, v12  }
0x12b: {  	v45 =	vshra.s32 v32, $0x1;
	v33 =	vmul.f32 $5.000000000e-01, v32;
	v59 =	vmul.f32 v54, v24  }
0x12c: {  	v14 =	vmax.f32 v56, $9.999999740e-06;
	v29 =	vmul.f32 v37, v19;
	v26 =	vmul.f32 v60, v12  }
0x12d: {  	v30 =	vsub.s32 $0x5F3759DF, v45;
	v25 =	vmul.f32 v59, v54;
	v11 =	vmul.f32 v14, v58  }
0x12e: {  	v13 =	vmul.f32 v14, v62;
	v12 =	vmul.f32 v14, v63;
	v14 =	vsub.s32 $0x5F3759DF, v43  }
0x12f: {  	v35 =	vshra.s32 v20, $0x1;
	v36 =	vmul.f32 $5.000000000e-01, v20;
	v40 =	vsub.f32 $1.500000000e+00, v29  }
0x130: {  	v42 =	vmul.f32 v26, v21;
	v44 =	vmul.f32 v14, v27;
	v38 =	vsub.s32 $0x5F3759DF, v35  }
0x131: {  	v52 =	vld [tilespmem:$0x32A0];
	v25 =	vsub.f32 $1.500000000e+00, v25;
	v35 =	vmul.f32 v30, v33;
	v39 =	vmul.f32 v38, v36  }
0x132: {  	v19 =	vmul.f32 v40, v19;
	v29 =	vmul.f32 v14, v44  }
0x133: {  	v25 =	vmul.f32 v25, v54;
	v47 =	vmul.f32 v30, v35  }
0x134: {  	v22 =	vmul.f32 v38, v39;
	v23 =	vmul.f32 v19, v23  }
0x135: {  	v29 =	vsub.f32 $1.500000000e+00, v29;
	v41 =	vmul.f32 v25, v24;
	v24 =	vmul.f32 v42, v26  }
0x136: {  	v10 =	vmul.f32 v51, v52;
	v49 =	vsub.f32 $1.500000000e+00, v47;
	v22 =	vsub.f32 $1.500000000e+00, v22  }
0x137: {  	v23 =	vmul.f32 v23, v19;
	v29 =	vmul.f32 v14, v29;
	v24 =	vsub.f32 $1.500000000e+00, v24  }
0x138: {  	v14 =	vld [tilespmem:$0x3060];
	v17 =	vmul.f32 v41, v25;
	v22 =	vmul.f32 v38, v22  }
0x139: {  	v30 =	vmul.f32 v30, v49;
	v24 =	vmul.f32 v24, v26  }
0x13a: {  	v51 =	vmul.f32 v29, v27;
	v17 =	vsub.f32 $1.500000000e+00, v17;
	v34 =	vmul.f32 v22, v36  }
0x13b: {  	v53 =	vmul.f32 v30, v33;
	v48 =	vmul.f32 v24, v21  }
0x13c: {  	v23 =	vsub.f32 $1.500000000e+00, v23;
	v17 =	vmul.f32 v17, v25;
	v46 =	vmul.f32 v34, v22  }
0x13d: {  	v56 =	vmul.f32 v53, v30;
	v61 =	vshra.s32 v14, $0x1;
	v25 =	vmul.f32 $5.000000000e-01, v14  }
0x13e: {  	v19 =	vmul.f32 v23, v19;
	v63 =	vsub.s32 $0x5F3759DF, v61;
	v26 =	vsub.f32 $1.500000000e+00, v46  }
0x13f: {  	v50 =	vmul.f32 v48, v24;
	v60 =	vsub.f32 $1.500000000e+00, v56;
	v40 =	vmul.f32 v63, v25  }
0x140: {  	v22 =	vmul.f32 v26, v22;
	v26 =	vmul.f32 v51, v29  }
0x141: {  	v17 =	vmul.f32 v17, v15;
	v34 =	vsub.f32 $1.500000000e+00, v50;
	v23 =	vmul.f32 v60, v30  }
0x142: {  	v30 =	vmul.f32 v63, v40;
	v52 =	vmul.f32 v22, v36;
	v55 =	vsub.f32 $1.500000000e+00, v26  }
0x143: {  	v15 =	vld [tilespmem:$0x30E0];
	v24 =	vmul.f32 v34, v24;
	v41 =	vmul.f32 v23, v33  }
0x144: {  	v54 =	vmul.f32 v52, v22;
	v59 =	vmul.f32 v55, v29  }
0x145: {  	v30 =	vsub.f32 $1.500000000e+00, v30;
	v58 =	vmul.f32 v24, v21;
	v34 =	vmul.f32 v41, v23  }
0x146: {  	v18 =	vmul.f32 v19, v18;
	v57 =	vsub.f32 $1.500000000e+00, v54;
	v62 =	vmul.f32 v59, v27  }
0x147: {  	v29 =	vmul.f32 v63, v30;
	v19 =	vmul.f32 v58, v24;
	v43 =	vsub.f32 $1.500000000e+00, v34  }
0x148: {  	v42 =	vshra.s32 v15, $0x1;
	v22 =	vmul.f32 v57, v22;
	v26 =	vmul.f32 v62, v59  }
0x149: {  	v44 =	vsub.s32 $0x5F3759DF, v42;
	v46 =	vmul.f32 v29, v25;
	v23 =	vmul.f32 v43, v23  }
0x14a: {  	v28 =	vmul.f32 v22, v36;
	v26 =	vsub.f32 $1.500000000e+00, v26;
	v36 =	vmul.f32 $5.000000000e-01, v15  }
0x14b: {  	v19 =	vsub.f32 $1.500000000e+00, v19;
	v47 =	vmul.f32 v46, v29;
	v33 =	vmul.f32 v23, v33  }
0x14c: {  	v21 =	vmul.f32 v26, v59;
	v45 =	vmul.f32 v44, v36  }
0x14d: {  	v19 =	vmul.f32 v19, v24;
	v28 =	vmul.f32 v28, v22  }
0x14e: {  	v50 =	vsub.f32 $1.500000000e+00, v47;
	v27 =	vmul.f32 v21, v27;
	v30 =	vmul.f32 v44, v45  }
0x14f: {  	v49 =	vmul.f32 v33, v23;
	v16 =	vmul.f32 v19, v16;
	v28 =	vsub.f32 $1.500000000e+00, v28  }
0x150: {  	v26 =	vld [tilespmem:$0x3160];
	v19 =	vmul.f32 v50, v29;
	v27 =	vmul.f32 v27, v21;
	v48 =	vsub.f32 $1.500000000e+00, v30  }
0x151: {  	v52 =	vsub.f32 $1.500000000e+00, v49;
	v22 =	vmul.f32 v28, v22;
	v28 =	vld [tilespmem:$0x3070]  }
0x152: {  	v29 =	vmul.f32 v19, v25;
	v27 =	vsub.f32 $1.500000000e+00, v27;
	v51 =	vmul.f32 v44, v48  }
0x153: {  	v20 =	vmul.f32 v22, v20;
	v22 =	vmul.f32 v52, v23;
	v23 =	vld [tilespmem:$0x30F0]  }
0x154: {  	v29 =	vmul.f32 v29, v19;
	v21 =	vmul.f32 v27, v21  }
0x155: {  	v54 =	vshra.s32 v26, $0x1;
	v53 =	vmul.f32 v51, v36;
	v22 =	vmul.f32 v22, v32  }
0x156: {  	v30 =	vsub.s32 $0x5F3759DF, v54;
	v32 =	vld [tilespmem:$0x3170];
	v35 =	vmul.f32 $5.000000000e-01, v28;
	v21 =	vmul.f32 v21, v31  }
0x157: {  	v56 =	vshra.s32 v28, $0x1;
	v27 =	vmul.f32 v53, v51;
	v31 =	vmul.f32 $5.000000000e-01, v26  }
0x158: {  	v34 =	vsub.s32 $0x5F3759DF, v56;
	v37 =	vshra.s32 v23, $0x1;
	v38 =	vmul.f32 $5.000000000e-01, v23  }
0x159: {  	v57 =	vmul.f32 v34, v35;
	v27 =	vsub.f32 $1.500000000e+00, v27;
	v37 =	vsub.s32 $0x5F3759DF, v37  }
0x15a: {  	v29 =	vsub.f32 $1.500000000e+00, v29;
	v55 =	vmul.f32 v30, v31;
	v39 =	vmul.f32 v37, v38  }
0x15b: {  	v40 =	vshra.s32 v32, $0x1;
	v41 =	vmul.f32 $5.000000000e-01, v32;
	v24 =	vmul.f32 v27, v51  }
0x15c: {  	v33 =	vmul.f32 v30, v55;
	v27 =	vmul.f32 v34, v57;
	v40 =	vsub.s32 $0x5F3759DF, v40  }
0x15d: {  	v17 =	vadd.f32 v18, v17;
	v39 =	vmul.f32 v37, v39;
	v58 =	vmul.f32 v40, v41  }
0x15e: {  	v19 =	vmul.f32 v29, v19;
	v33 =	vsub.f32 $1.500000000e+00, v33;
	v27 =	vsub.f32 $1.500000000e+00, v27  }
0x15f: {  	v42 =	vmul.f32 v24, v36;
	v59 =	vsub.f32 $1.500000000e+00, v39;
	v29 =	vmul.f32 v40, v58  }
0x160: {  	[tilespmem:$0x3380] =	vst v2;
	v2 =	vadd.f32 v16, v17;
	v30 =	vmul.f32 v30, v33;
	v27 =	vmul.f32 v34, v27  }
0x161: {  	v61 =	vmul.f32 v42, v24;
	v33 =	vmul.f32 v37, v59  }
0x162: {  	v2 =	vmul.f32 v2, v0;
	v29 =	vsub.f32 $1.500000000e+00, v29;
	v60 =	vmul.f32 v30, v31  }
0x163: {  	v62 =	vmul.f32 v27, v35;
	v37 =	vsub.f32 $1.500000000e+00, v61;
	v63 =	vmul.f32 v33, v38  }
0x164: {  	v29 =	vmul.f32 v40, v29;
	v34 =	vmul.f32 v60, v30  }
0x165: {  	v39 =	vmul.f32 v62, v27;
	v24 =	vmul.f32 v37, v24  }
0x166: {  	v44 =	vmul.f32 v63, v33;
	v46 =	vmul.f32 v29, v41  }
0x167: {  	v25 =	vmul.f32 v19, v25;
	v34 =	vsub.f32 $1.500000000e+00, v34;
	v45 =	vsub.f32 $1.500000000e+00, v39  }
0x168: {  	v50 =	vmul.f32 v24, v36;
	v47 =	vsub.f32 $1.500000000e+00, v44;
	v48 =	vmul.f32 v46, v29  }
0x169: {  	v30 =	vmul.f32 v34, v30;
	v27 =	vmul.f32 v45, v27  }
0x16a: {  	v34 =	vmul.f32 v50, v24;
	v33 =	vmul.f32 v47, v33  }
0x16b: {  	v25 =	vmul.f32 v25, v19;
	v37 =	vsub.f32 $1.500000000e+00, v48;
	v49 =	vmul.f32 v30, v31  }
0x16c: {  	v51 =	vmul.f32 v27, v35;
	v34 =	vsub.f32 $1.500000000e+00, v34;
	v52 =	vmul.f32 v33, v38  }
0x16d: {  	v29 =	vmul.f32 v37, v29;
	v39 =	vmul.f32 v49, v30  }
0x16e: {  	[tilespmem:$0x3300] =	vst v3;
	v43 =	vld [tilespmem:$0x3240];
	v25 =	vsub.f32 $1.500000000e+00, v25;
	v36 =	vmul.f32 v51, v27;
	v3 =	vmul.f32 v34, v24  }
0x16f: {  	v54 =	vmul.f32 v52, v33;
	v55 =	vmul.f32 v29, v41  }
0x170: {  	v19 =	vmul.f32 v25, v19;
	v53 =	vsub.f32 $1.500000000e+00, v39;
	v36 =	vsub.f32 $1.500000000e+00, v36  }
0x171: {  	v3 =	vmul.f32 v3, v15;
	v57 =	vsub.f32 $1.500000000e+00, v54;
	v58 =	vmul.f32 v55, v29  }
0x172: {  	v2 =	vmax.f32 v2, $9.999999740e-06;
	v56 =	vmul.f32 v53, v30;
	v27 =	vmul.f32 v36, v27  }
0x173: {  	v54 =	vmul.f32 v2, v43;
	v59 =	vmul.f32 v57, v33;
	v62 =	vsub.f32 $1.500000000e+00, v58  }
0x174: {  	v60 =	vmul.f32 v56, v31;
	v61 =	vmul.f32 v27, v35  }
0x175: {  	[tilespmem:$0x3400] =	vst v5;
	v30 =	vmul.f32 v59, v38;
	v34 =	vmul.f32 v62, v29  }
0x176: {  	[tilespmem:$0x3310] =	vst v6;
	v63 =	vmul.f32 v60, v56;
	v35 =	vmul.f32 v61, v27  }
0x177: {  	[tilespmem:$0x3390] =	vst v4;
	v33 =	vadd.f32 v21, v20;
	v38 =	vmul.f32 v30, v59;
	v41 =	vmul.f32 v34, v41  }
0x178: {  	[tilespmem:$0x3410] =	vst v8;
	v45 =	vld [tilespmem:$0x32C0];
	v36 =	vmul.f32 v19, v14;
	v37 =	vsub.f32 $1.500000000e+00, v63;
	v40 =	vsub.f32 $1.500000000e+00, v35  }
0x179: {  	[tilespmem:$0x3320] =	vst v9;
	v39 =	vld [tilespmem:$0x31C0];
	v5 =	vadd.f32 v22, v33;
	v16 =	vsub.f32 $1.500000000e+00, v38;
	v17 =	vmul.f32 v41, v34  }
0x17a: {  	[tilespmem:$0x33A0] =	vst v7;
	v42 =	vmul.f32 v37, v56;
	v44 =	vmul.f32 v40, v27  }
0x17b: {  	[tilespmem:$0x3420] =	vst v10;
	v48 =	vld [tilespmem:$0x31D0];
	v5 =	vmul.f32 v5, v0;
	v47 =	vmul.f32 v16, v59;
	v49 =	vsub.f32 $1.500000000e+00, v17  }
0x17c: {  	[tilespmem:$0x3330] =	vst v11;
	v51 =	vld [tilespmem:$0x3250];
	v3 =	vadd.f32 v3, v36;
	v46 =	vmul.f32 v42, v26;
	v9 =	vmul.f32 v44, v28  }
0x17d: {  	[tilespmem:$0x33B0] =	vst v13;
	v53 =	vld [tilespmem:$0x32D0];
	v50 =	vmul.f32 v47, v23;
	v52 =	vmul.f32 v49, v34  }
0x17e: {  	[tilespmem:$0x3430] =	vst v12;
	v55 =	vld [tilespmem:$0x31E0];
	v4 =	vmul.f32 v2, v39;
	v2 =	vmul.f32 v2, v45;
	v3 =	vadd.f32 v46, v3  }
0x17f: {  	v58 =	vld [tilespmem:$0x3260];
	[tilespmem:$0x33C0] =	vst v54;
	v5 =	vmax.f32 v5, $9.999999740e-06;
	v56 =	vadd.f32 v50, v9;
	v57 =	vmul.f32 v52, v32  }
0x180: {  	[tilespmem:$0x3340] =	vst v4;
	v10 =	vmul.f32 v5, v48;
	v59 =	vld [tilespmem:$0x32E0];
	v3 =	vmul.f32 v3, v0  }
0x181: {  	v60 =	vld [tilespmem:$0x31F0];
	[tilespmem:$0x3440] =	vst v2;
	v2 =	vmul.f32 v5, v51;
	v4 =	vadd.f32 v57, v56  }
0x182: {  	v61 =	vld [tilespmem:$0x3270];
	v5 =	vmul.f32 v5, v53;
	[tilespmem:$0x3350] =	vst v10;
	v3 =	vmax.f32 v3, $9.999999740e-06  }
0x183: {  	v62 =	vld [tilespmem:$0x32F0];
	[tilespmem:$0x33D0] =	vst v2;
	v2 =	vmul.f32 v3, v55;
	v4 =	vmul.f32 v4, v0  }
0x184: {  	[tilespmem:$0x3450] =	vst v5;
	v63 =	vmul.f32 v3, v58  }
0x185: {  	[tilespmem:$0x3360] =	vst v2;
	v2 =	vmul.f32 v3, v59;
	v3 =	vmax.f32 v4, $9.999999740e-06  }
0x186: {  	[tilespmem:$0x33E0] =	vst v63;
	v4 =	vmul.f32 v3, v60  }
0x187: {  	[tilespmem:$0x3460] =	vst v2;
	v2 =	vmul.f32 v3, v61  }
0x188: {  	v3 =	vmul.f32 v3, v62;
	[tilespmem:$0x3370] =	vst v4  }
0x189: {  	[tilespmem:$0x33F0] =	vst v2  }
0x18a: {  	[tilespmem:$0x3470] =	vst v3  }
0x18b: {  	[hbm4b:s10+s3] =	stream.linear.scatter [tilespmem:s23], [sflag:$0x1], $0x80, $0x38;
	[tilespmem:$0x3480] =	vst v63  }
0x18c: {  	_ =	swait.ge [sflag:s14], $0x80  }
0x18d: {  	[sflag:s14] =	ssyncset.done $0x0  }
0x18e: {  	[sflag:s14] =	ssyncadd.s32 $0xFFFFFF80  }
0x18f: {  	[hbm4b:s11+s3] =	stream.linear.scatter [tilespmem:s24], [sflag:$0x1], $0x80, $0x38;
	[tilespmem:$0x3480] =	vst v63  }
0x190: {  	s26 =	sadd.s32 $0x1, s26;
	_ =	swait.ge [sflag:s14], $0x80  }
0x191: {  	p0 =	sne.s32 s26, s13;
	[sflag:s14] =	ssyncset.done $0x0  }
.Ltmp2:
0x192: {  	[sflag:s14] =	ssyncadd.s32 $0xFFFFFF80;
	(pc) =	sbr.rel @p0 .LBB2_1-.Ltmp2, $4  }
0x193: {  	[hbm4b:s12+s3] =	stream.linear.scatter [tilespmem:s25], [sflag:$0x1], $0x80, $0x38;
	[tilespmem:$0x3480] =	vst v63  }
0x194: {  	_ =	swait.ge [sflag:s14], $0x80  }
0x195: {  	[sflag:s14] =	ssyncset.done $0x0  }
0x196: {  	[sflag:s14] =	ssyncadd.s32 $0xFFFFFF80  }
0x197: {  	_ =	sfence.sel $0x180000  }
0x198: {  	[bflag:$0x0] =	sbarrier.arrive $0xFFFF  }
0x199: {  	_ =	strace $0x90000047  }
0x19a: {  	[bflag:$0x2] =	sbarrier.arrive $0xFFFF  }
0x19b: {  	p0 =	sne.s32 s2, $0x0;
	s0 =	rddreg [dreg:$0x2]  }
0x19c: {  	s0 =	sadd.s32 @!p0 $0x100000, s0  }
0x19d: {  	[sflag:s0] =	ssyncadd.tile.s32 @!p0 $0x1;
	_ =	shalt  }
.Lfunc_end2:
_tile_overlayer_lowered:
.L_overlay_start_2:
0x19e: {  	(tag) =	ssettag $0x2  }
0x19f: {  	s0 =	rddreg [dreg:$0x0];
	s2 =	stileid.u32  }
0x1a0: {  	s1 =	rddreg [dreg:$0x1];
	p0 =	sne.s32 s2, $0x0  }
0x1a1: {  	s3 =	rddreg [dreg:$0x2];
	[bflag:$0x3] =	sbarrier.arrive $0xFFFF;
	s2 =	simm.s32 @!p0 $0x1C01  }
0x1a2: {  	[timem:s3], [sflag:s2] =	dma.local @!p0 [hbm:s0], s1  }
0x1a3: {  	s0 =	simm.s32 @!p0 $0x1  }
0x1a4: {  	_ =	swait.ge @!p0 [sflag:s0], s1  }
0x1a5: {  	s1 =	ssub.s32 @!p0 $0x0, s1;
	[sflag:s0] =	ssyncset.done @!p0 $0x0  }
0x1a6: {  	[sflag:s0] =	ssyncadd.s32 @!p0 s1  }
0x1a7: {  	[bflag:$0x3] =	sbarrier.arrive $0xFFFF  }
0x1a8: {  	_ =	shalt  }

</sc_bundles>
